<compile_context>
chip_gen: v7x
topology: tpu7x:2x2x1
jax: 0.10.2.dev20260603
libtpu: 0.0.44.dev20260713+nightly
codegen_flags: <defaults>
</compile_context>

<pallas_src>
import functools

import jax
import jax.numpy as jnp
from jax import lax
from jax.experimental import pallas as pl
from jax.experimental.pallas import tpu as pltpu
from jax.experimental.pallas import tpu_sc as plsc

_LANES = 16


def _make_event_kernel(n_nodes: int, n_events: int, epw: int,
                       nc: int, ns: int):
    nw = nc * ns
    n_iter = epw // _LANES
    overlap = nw * epw - n_events
    assert overlap % _LANES == 0 and overlap >= 0
    mesh = plsc.VectorSubcoreMesh(core_axis_name="c", subcore_axis_name="s")

    @functools.partial(
        pl.kernel,
        mesh=mesh,
        compiler_params=pltpu.CompilerParams(needs_layout_passes=False),
        out_type=jax.ShapeDtypeStruct((nw, _LANES), jnp.float32),
        scratch_types=[
            pltpu.VMEM((epw,), jnp.int32),
            pltpu.VMEM((epw,), jnp.int32),
            pltpu.VMEM((epw,), jnp.int32),
            pltpu.VMEM((n_nodes,), jnp.float32),
            pltpu.VMEM((n_nodes,), jnp.float32),
            pltpu.VMEM((n_nodes,), jnp.float32),
            pltpu.VMEM((n_nodes,), jnp.float32),
            pltpu.VMEM((_LANES,), jnp.float32),
        ],
    )
    def event_kernel(ii_hbm, jj_hbm, tt_hbm, zx_hbm, zy_hbm, vx_hbm, vy_hbm,
                     out_hbm, ii_v, jj_v, tt_v, zx_v, zy_v, vx_v, vy_v, acc_v):
        wid = lax.axis_index("s") * nc + lax.axis_index("c")
        is_last = wid == nw - 1
        base = jnp.where(is_last, n_events - epw, wid * epw)
        k0 = jnp.where(is_last, overlap // _LANES, 0)
        pltpu.sync_copy(ii_hbm.at[pl.ds(base, epw)], ii_v)
        pltpu.sync_copy(jj_hbm.at[pl.ds(base, epw)], jj_v)
        pltpu.sync_copy(tt_hbm.at[pl.ds(base, epw)], tt_v)
        pltpu.sync_copy(zx_hbm, zx_v)
        pltpu.sync_copy(zy_hbm, zy_v)
        pltpu.sync_copy(vx_hbm, vx_v)
        pltpu.sync_copy(vy_hbm, vy_v)

        def body(k, acc):
            off = k * _LANES
            iiv = ii_v[pl.ds(off, _LANES)]
            jjv = jj_v[pl.ds(off, _LANES)]
            ttv = tt_v[pl.ds(off, _LANES)].astype(jnp.float32)
            zix = plsc.load_gather(zx_v, [iiv])
            ziy = plsc.load_gather(zy_v, [iiv])
            vix = plsc.load_gather(vx_v, [iiv])
            viy = plsc.load_gather(vy_v, [iiv])
            zjx = plsc.load_gather(zx_v, [jjv])
            zjy = plsc.load_gather(zy_v, [jjv])
            vjx = plsc.load_gather(vx_v, [jjv])
            vjy = plsc.load_gather(vy_v, [jjv])
            dx = (zix - zjx) + ttv * (vix - vjx)
            dy = (ziy - zjy) + ttv * (viy - vjy)
            d = dx * dx + dy * dy
            return acc + jnp.where(k >= k0, d, 0.0)

        acc = lax.fori_loop(0, n_iter, body,
                            jnp.zeros((_LANES,), jnp.float32), unroll=8)
        acc_v[...] = acc
        pltpu.sync_copy(acc_v, out_hbm.at[wid])

    return event_kernel


_BI = 512
_BJ = 512
_SQRT_PI = 1.7724538509055159


def _fold_bi(f, j, nb):
    return jnp.where(j < nb - f, f, nb - 1 - f)


def _fold_bj(f, j, nb):
    return jnp.where(j < nb - f, f + j, j - 1)


def _pair_body(t0_ref, tn_ref, beta_ref,
               zxc, zyc, vxc, vyc, zxr, zyr, vxr, vyr, out_ref,
               *, n_nodes, nb):
    f = pl.program_id(0)
    j = pl.program_id(1)
    bi = _fold_bi(f, j, nb)
    bj = _fold_bj(f, j, nb)

    @pl.when((f == 0) & (j == 0))
    def _init():
        out_ref[...] = jnp.zeros_like(out_ref)

    bf = jnp.bfloat16
    t0 = t0_ref[0, 0].astype(bf)
    tn = tn_ref[0, 0].astype(bf)
    beta = beta_ref[0, 0].astype(bf)
    a = zxc[...].astype(bf) - zxr[...].astype(bf)
    b = zyc[...].astype(bf) - zyr[...].astype(bf)
    m = vxc[...].astype(bf) - vxr[...].astype(bf)
    n = vyc[...].astype(bf) - vyr[...].astype(bf)

    def integral_sum(s, mask):
        inv_r = lax.rsqrt(s)
        inv_s = inv_r * inv_r
        bman = b * m - a * n
        expo = beta - bman * bman * inv_s
        c = a * m + b * n
        u0 = (s * t0 + c) * inv_r
        u1 = (s * tn + c) * inv_r
        val = jnp.exp(expo) * (lax.erf(u0) - lax.erf(u1)) * inv_r
        if mask is not None:
            val = jnp.where(mask, val, bf(0.0))
        return jnp.sum(val.astype(jnp.float32))

    need_mask = (bi == bj) | (bi == nb - 1) | (bj == nb - 1)

    @pl.when(need_mask)
    def _masked():
        gi_col = bi * _BI + lax.broadcasted_iota(jnp.int32, (_BI, 1), 0)
        gj_row = bj * _BJ + lax.broadcasted_iota(jnp.int32, (1, _BJ), 1)
        mask = (gj_row > gi_col) & (gj_row < n_nodes) & (gi_col < n_nodes)
        s = m * m + n * n + bf(1e-20)
        s_safe = jnp.where(mask, s, bf(1.0))
        out_ref[...] += (-0.5 * _SQRT_PI
                         * integral_sum(s_safe, mask)).reshape(1, 1)

    @pl.when(jnp.logical_not(need_mask))
    def _unmasked():
        s = m * m + n * n + bf(1e-20)
        out_ref[...] += (-0.5 * _SQRT_PI
                         * integral_sum(s, None)).reshape(1, 1)


def _make_pair_call(n_pad: int, n_nodes: int):
    nb = n_pad // _BI
    assert nb % 2 == 0
    col_spec = pl.BlockSpec((_BI, 1), lambda f, j: (_fold_bi(f, j, nb), 0))
    row_spec = pl.BlockSpec((1, _BJ), lambda f, j: (0, _fold_bj(f, j, nb)))
    smem_spec = pl.BlockSpec(memory_space=pltpu.SMEM)
    return pl.pallas_call(
        functools.partial(_pair_body, n_nodes=n_nodes, nb=nb),
        grid=(nb // 2, nb + 1),
        in_specs=[smem_spec, smem_spec, smem_spec,
                  col_spec, col_spec, col_spec, col_spec,
                  row_spec, row_spec, row_spec, row_spec],
        out_specs=pl.BlockSpec((1, 1), lambda f, j: (0, 0)),
        out_shape=jax.ShapeDtypeStruct((1, 1), jnp.float32),
    )


def kernel(data, t0, tn, z0, v0, beta):
    n_events = data.shape[0]
    n_nodes = z0.shape[0]

    info = plsc.get_sparse_core_info()
    nc, ns = info.num_cores, info.num_subcores
    nw = nc * ns
    epw = -(-n_events // nw)
    epw = -(-epw // _LANES) * _LANES

    zx = z0[:, 0]
    zy = z0[:, 1]
    vx = v0[:, 0]
    vy = v0[:, 1]

    ev_parts = _make_event_kernel(n_nodes, n_events, epw, nc, ns)(
        data[:, 0], data[:, 1], data[:, 2], zx, zy, vx, vy)
    sum_d = jnp.sum(ev_parts)

    n_pad = -(-n_nodes // _BI) * _BI
    npad = n_pad - n_nodes

    def _col(x):
        return jnp.pad(x, (0, npad)).reshape(n_pad, 1)

    def _row(x):
        return jnp.pad(x, (0, npad)).reshape(1, n_pad)

    pair_sum = _make_pair_call(n_pad, n_nodes)(
        t0.reshape(1, 1), tn.reshape(1, 1), beta.reshape(1, 1),
        _col(zx), _col(zy), _col(vx), _col(vy),
        _row(zx), _row(zy), _row(vx), _row(vy))

    beta_s = beta[0, 0]
    event_intensity = n_events * beta_s - sum_d
    log_likelihood = event_intensity - pair_sum[0, 0]
    return log_likelihood.reshape(1, 1)

# --- scband reference (transcript-rebuilt; emitter-appended) ---
"""Pipeline reference for scband-constant-velocity-model-68169720922999 (READ-ONLY COPY).

The authoritative reference and input builder live on the scoring server;
editing this copy changes nothing except your own understanding.
"""

import jax, jax.numpy as jnp
import numpy as np
from jax.scipy.special import erf

N_POINTS = 4000
N_EVENTS = 400000
BETA_INIT = 1.0


def setup_inputs(seed: int = 0) -> dict:
    key = jax.random.key(seed)
    k1, k2, k3 = jax.random.split(key, 3)
    # data columns: [node_i, node_j, event_time]; stored as one int tensor (times are integer-valued)
    data = jax.random.randint(k1, (N_EVENTS, 3), 0, N_POINTS)
    t0 = jnp.zeros((1,), dtype=jnp.float32)
    tn = jnp.ones((1,), dtype=jnp.float32)
    # learned parameters, initialized exactly as the torch module does
    z0 = jax.random.uniform(k2, (N_POINTS, 2), dtype=jnp.float32) * 0.5
    v0 = jax.random.uniform(k3, (N_POINTS, 2), dtype=jnp.float32) * 0.5
    beta = jnp.full((1, 1), BETA_INIT, dtype=jnp.float32)
    return {"data": data, "t0": t0, "tn": tn, "z0": z0, "v0": v0, "beta": beta}


def reference(data, t0, tn, z0, v0, beta):
    beta_s = beta[0, 0]
    # ---- event intensity: sum over events of log_intensity(i, j, t) = beta - ||z_i(t) - z_j(t)||^2
    ii = data[:, 0]
    jj = data[:, 1]
    tt = data[:, 2].astype(jnp.float32)
    zi = z0[ii] + v0[ii] * tt[:, None]
    zj = z0[jj] + v0[jj] * tt[:, None]
    d = jnp.sum((zi - zj) ** 2, axis=-1)
    event_intensity = jnp.sum(beta_s - d)
    # ---- non-event intensity: closed-form integral over all upper-triangular node pairs
    iu_np, ju_np = np.triu_indices(z0.shape[0], k=1)
    iu = jnp.asarray(iu_np)
    ju = jnp.asarray(ju_np)
    a = z0[iu, 0] - z0[ju, 0]
    b = z0[iu, 1] - z0[ju, 1]
    m = v0[iu, 0] - v0[ju, 0]
    n = v0[iu, 1] - v0[ju, 1]
    s = m ** 2 + n ** 2
    r = jnp.sqrt(s)
    expo = ((-b ** 2 + beta_s) * m ** 2 + 2.0 * a * b * m * n - n ** 2 * (a ** 2 - beta_s)) / s
    c = a * m + b * n
    integral = -jnp.sqrt(jnp.pi) * jnp.exp(expo) * (erf((s * t0 + c) / r) - erf((s * tn + c) / r)) / (2.0 * r)
    non_event_intensity = jnp.sum(integral)
    log_likelihood = event_intensity - non_event_intensity
    return log_likelihood.reshape(1, 1)

if __name__ == "__main__":
    import jax
    _d = setup_inputs()
    print(jax.jit(kernel)(*tuple(_d.values())))

</pallas_src>

<mosaic_0001>
#map = affine_map<(d0, d1) -> (0)>
#map1 = affine_map<(d0, d1) -> (0, 0)>
module attributes {stable_mosaic.version = 14 : i64} {
  func.func @event_kernel(%arg0: i32, %arg1: i32, %arg2: memref<400000xi32, #tpu.memory_space<hbm>>, %arg3: memref<400000xi32, #tpu.memory_space<hbm>>, %arg4: memref<400000xi32, #tpu.memory_space<hbm>>, %arg5: memref<4000xf32, #tpu.memory_space<hbm>>, %arg6: memref<4000xf32, #tpu.memory_space<hbm>>, %arg7: memref<4000xf32, #tpu.memory_space<hbm>>, %arg8: memref<4000xf32, #tpu.memory_space<hbm>>, %arg9: memref<32x16xf32, #tpu.memory_space<hbm>>, %arg10: memref<12512xi32, #tpu.memory_space<vmem>>, %arg11: memref<12512xi32, #tpu.memory_space<vmem>>, %arg12: memref<12512xi32, #tpu.memory_space<vmem>>, %arg13: memref<4000xf32, #tpu.memory_space<vmem>>, %arg14: memref<4000xf32, #tpu.memory_space<vmem>>, %arg15: memref<4000xf32, #tpu.memory_space<vmem>>, %arg16: memref<4000xf32, #tpu.memory_space<vmem>>, %arg17: memref<16xf32, #tpu.memory_space<vmem>>) attributes {dimension_semantics = [#tpu.dimension_semantics<core_parallel>, #tpu.dimension_semantics<subcore_parallel>], iteration_bounds = array<i64: 2, 16>, scalar_prefetch = 0 : i64, scratch_operands = 8 : i64, tpu.core_type = #tpu.core_type<sc_vector_subcore>, window_params = [{transform_indices = #map}, {transform_indices = #map}, {transform_indices = #map}, {transform_indices = #map}, {transform_indices = #map}, {transform_indices = #map}, {transform_indices = #map}, {transform_indices = #map1}]} {
    %mul3A = arith.constant 2 : i32
    %mul3A_0 = arith.muli %arg1, %mul3A : i32
    %add3A = arith.addi %mul3A_0, %arg0 : i32
    %eq3A = arith.constant 31 : i32
    %eq3A_1 = arith.cmpi eq, %add3A, %eq3A : i32
    %mul3A_2 = arith.constant 12512 : i32
    %mul3A_3 = arith.muli %add3A, %mul3A_2 : i32
    %jit3A = arith.constant 387488 : i32
    %select_n3A = arith.select %eq3A_1, %jit3A, %mul3A_3 : i32
    %jit3A_4 = arith.constant 24 : i32
    %jit3A_5 = arith.constant 0 : i32
    %select_n3A_6 = arith.select %eq3A_1, %jit3A_4, %jit3A_5 : i32
    "tpu.region"() ({
      %run_scoped3A = tpu.sem_alloc : memref<!tpu.dma_semaphore, #tpu.memory_space<semaphore_mem>>
      %dma_start3A = tpu.memref_slice %arg2[%select_n3A] : memref<400000xi32, #tpu.memory_space<hbm>> -> memref<12512xi32, #tpu.memory_space<hbm>>
      %dma_start3A_219 = tpu.memref_slice %arg2[%select_n3A] : memref<400000xi32, #tpu.memory_space<hbm>> -> memref<12512xi32, #tpu.memory_space<hbm>>
      tpu.enqueue_dma source(%dma_start3A_219 : memref<12512xi32, #tpu.memory_space<hbm>>) target(%arg10 : memref<12512xi32, #tpu.memory_space<vmem>>) target_semaphore(%run_scoped3A : memref<!tpu.dma_semaphore, #tpu.memory_space<semaphore_mem>>)
      %dma_wait3A = tpu.memref_slice %arg2[%select_n3A] : memref<400000xi32, #tpu.memory_space<hbm>> -> memref<12512xi32, #tpu.memory_space<hbm>>
      %dma_wait3A_220 = tpu.memref_slice %arg2[%select_n3A] : memref<400000xi32, #tpu.memory_space<hbm>> -> memref<12512xi32, #tpu.memory_space<hbm>>
      tpu.wait_dma2 semaphore(%run_scoped3A : memref<!tpu.dma_semaphore, #tpu.memory_space<semaphore_mem>>) src(%dma_wait3A_220 : memref<12512xi32, #tpu.memory_space<hbm>>) dst(%arg10 : memref<12512xi32, #tpu.memory_space<vmem>>)
      tpu.yield
    }) : () -> ()
    "tpu.region"() ({
      %run_scoped3A = tpu.sem_alloc : memref<!tpu.dma_semaphore, #tpu.memory_space<semaphore_mem>>
      %dma_start3A = tpu.memref_slice %arg3[%select_n3A] : memref<400000xi32, #tpu.memory_space<hbm>> -> memref<12512xi32, #tpu.memory_space<hbm>>
      %dma_start3A_219 = tpu.memref_slice %arg3[%select_n3A] : memref<400000xi32, #tpu.memory_space<hbm>> -> memref<12512xi32, #tpu.memory_space<hbm>>
      tpu.enqueue_dma source(%dma_start3A_219 : memref<12512xi32, #tpu.memory_space<hbm>>) target(%arg11 : memref<12512xi32, #tpu.memory_space<vmem>>) target_semaphore(%run_scoped3A : memref<!tpu.dma_semaphore, #tpu.memory_space<semaphore_mem>>)
      %dma_wait3A = tpu.memref_slice %arg3[%select_n3A] : memref<400000xi32, #tpu.memory_space<hbm>> -> memref<12512xi32, #tpu.memory_space<hbm>>
      %dma_wait3A_220 = tpu.memref_slice %arg3[%select_n3A] : memref<400000xi32, #tpu.memory_space<hbm>> -> memref<12512xi32, #tpu.memory_space<hbm>>
      tpu.wait_dma2 semaphore(%run_scoped3A : memref<!tpu.dma_semaphore, #tpu.memory_space<semaphore_mem>>) src(%dma_wait3A_220 : memref<12512xi32, #tpu.memory_space<hbm>>) dst(%arg11 : memref<12512xi32, #tpu.memory_space<vmem>>)
      tpu.yield
    }) : () -> ()
    "tpu.region"() ({
      %run_scoped3A = tpu.sem_alloc : memref<!tpu.dma_semaphore, #tpu.memory_space<semaphore_mem>>
      %dma_start3A = tpu.memref_slice %arg4[%select_n3A] : memref<400000xi32, #tpu.memory_space<hbm>> -> memref<12512xi32, #tpu.memory_space<hbm>>
      %dma_start3A_219 = tpu.memref_slice %arg4[%select_n3A] : memref<400000xi32, #tpu.memory_space<hbm>> -> memref<12512xi32, #tpu.memory_space<hbm>>
      tpu.enqueue_dma source(%dma_start3A_219 : memref<12512xi32, #tpu.memory_space<hbm>>) target(%arg12 : memref<12512xi32, #tpu.memory_space<vmem>>) target_semaphore(%run_scoped3A : memref<!tpu.dma_semaphore, #tpu.memory_space<semaphore_mem>>)
      %dma_wait3A = tpu.memref_slice %arg4[%select_n3A] : memref<400000xi32, #tpu.memory_space<hbm>> -> memref<12512xi32, #tpu.memory_space<hbm>>
      %dma_wait3A_220 = tpu.memref_slice %arg4[%select_n3A] : memref<400000xi32, #tpu.memory_space<hbm>> -> memref<12512xi32, #tpu.memory_space<hbm>>
      tpu.wait_dma2 semaphore(%run_scoped3A : memref<!tpu.dma_semaphore, #tpu.memory_space<semaphore_mem>>) src(%dma_wait3A_220 : memref<12512xi32, #tpu.memory_space<hbm>>) dst(%arg12 : memref<12512xi32, #tpu.memory_space<vmem>>)
      tpu.yield
    }) : () -> ()
    "tpu.region"() ({
      %run_scoped3A = tpu.sem_alloc : memref<!tpu.dma_semaphore, #tpu.memory_space<semaphore_mem>>
      tpu.enqueue_dma source(%arg5 : memref<4000xf32, #tpu.memory_space<hbm>>) target(%arg13 : memref<4000xf32, #tpu.memory_space<vmem>>) target_semaphore(%run_scoped3A : memref<!tpu.dma_semaphore, #tpu.memory_space<semaphore_mem>>)
      tpu.wait_dma2 semaphore(%run_scoped3A : memref<!tpu.dma_semaphore, #tpu.memory_space<semaphore_mem>>) src(%arg5 : memref<4000xf32, #tpu.memory_space<hbm>>) dst(%arg13 : memref<4000xf32, #tpu.memory_space<vmem>>)
      tpu.yield
    }) : () -> ()
    "tpu.region"() ({
      %run_scoped3A = tpu.sem_alloc : memref<!tpu.dma_semaphore, #tpu.memory_space<semaphore_mem>>
      tpu.enqueue_dma source(%arg6 : memref<4000xf32, #tpu.memory_space<hbm>>) target(%arg14 : memref<4000xf32, #tpu.memory_space<vmem>>) target_semaphore(%run_scoped3A : memref<!tpu.dma_semaphore, #tpu.memory_space<semaphore_mem>>)
      tpu.wait_dma2 semaphore(%run_scoped3A : memref<!tpu.dma_semaphore, #tpu.memory_space<semaphore_mem>>) src(%arg6 : memref<4000xf32, #tpu.memory_space<hbm>>) dst(%arg14 : memref<4000xf32, #tpu.memory_space<vmem>>)
      tpu.yield
    }) : () -> ()
    "tpu.region"() ({
      %run_scoped3A = tpu.sem_alloc : memref<!tpu.dma_semaphore, #tpu.memory_space<semaphore_mem>>
      tpu.enqueue_dma source(%arg7 : memref<4000xf32, #tpu.memory_space<hbm>>) target(%arg15 : memref<4000xf32, #tpu.memory_space<vmem>>) target_semaphore(%run_scoped3A : memref<!tpu.dma_semaphore, #tpu.memory_space<semaphore_mem>>)
      tpu.wait_dma2 semaphore(%run_scoped3A : memref<!tpu.dma_semaphore, #tpu.memory_space<semaphore_mem>>) src(%arg7 : memref<4000xf32, #tpu.memory_space<hbm>>) dst(%arg15 : memref<4000xf32, #tpu.memory_space<vmem>>)
      tpu.yield
    }) : () -> ()
    "tpu.region"() ({
      %run_scoped3A = tpu.sem_alloc : memref<!tpu.dma_semaphore, #tpu.memory_space<semaphore_mem>>
      tpu.enqueue_dma source(%arg8 : memref<4000xf32, #tpu.memory_space<hbm>>) target(%arg16 : memref<4000xf32, #tpu.memory_space<vmem>>) target_semaphore(%run_scoped3A : memref<!tpu.dma_semaphore, #tpu.memory_space<semaphore_mem>>)
      tpu.wait_dma2 semaphore(%run_scoped3A : memref<!tpu.dma_semaphore, #tpu.memory_space<semaphore_mem>>) src(%arg8 : memref<4000xf32, #tpu.memory_space<hbm>>) dst(%arg16 : memref<4000xf32, #tpu.memory_space<vmem>>)
      tpu.yield
    }) : () -> ()
    %broadcast_in_dim3A = arith.constant 0.000000e+00 : f32
    %broadcast_in_dim3A_7 = vector.broadcast %broadcast_in_dim3A : f32 to vector<16xf32>
    %scan3A = arith.constant 0 : i32
    %scan3A_8 = arith.constant 776 : i32
    %scan3A_9 = arith.addi %scan3A, %scan3A_8 : i32
    %scan3A_10 = arith.constant 8 : i32
    %scan3A_11 = scf.for %scan3A_219 = %scan3A to %scan3A_9 step %scan3A_10 iter_args(%scan3A_220 = %broadcast_in_dim3A_7) -> (vector<16xf32>)  : i32 {
      %mul3A_221 = arith.constant 16 : i32
      %mul3A_222 = arith.muli %scan3A_219, %mul3A_221 : i32
      %get3A_223 = arith.index_cast %mul3A_222 : i32 to index
      %get3A_224 = tpu.vector_load %arg10[%get3A_223] {strides = array<i32>} : memref<12512xi32, #tpu.memory_space<vmem>>, vector<16xi32>,
      %get3A_225 = arith.index_cast %mul3A_222 : i32 to index
      %get3A_226 = tpu.vector_load %arg11[%get3A_225] {strides = array<i32>} : memref<12512xi32, #tpu.memory_space<vmem>>, vector<16xi32>,
      %get3A_227 = arith.index_cast %mul3A_222 : i32 to index
      %get3A_228 = tpu.vector_load %arg12[%get3A_227] {strides = array<i32>} : memref<12512xi32, #tpu.memory_space<vmem>>, vector<16xi32>,
      %convert_element_type3A_229 = arith.sitofp %get3A_228 : vector<16xi32> to vector<16xf32>
      %gather3A_230 = tpu.vector_load_idx %arg13[%get3A_224] : memref<4000xf32, #tpu.memory_space<vmem>>[vector<16xi32>], vector<16xf32>,
      %gather3A_231 = tpu.vector_load_idx %arg14[%get3A_224] : memref<4000xf32, #tpu.memory_space<vmem>>[vector<16xi32>], vector<16xf32>,
      %gather3A_232 = tpu.vector_load_idx %arg15[%get3A_224] : memref<4000xf32, #tpu.memory_space<vmem>>[vector<16xi32>], vector<16xf32>,
      %gather3A_233 = tpu.vector_load_idx %arg16[%get3A_224] : memref<4000xf32, #tpu.memory_space<vmem>>[vector<16xi32>], vector<16xf32>,
      %gather3A_234 = tpu.vector_load_idx %arg13[%get3A_226] : memref<4000xf32, #tpu.memory_space<vmem>>[vector<16xi32>], vector<16xf32>,
      %gather3A_235 = tpu.vector_load_idx %arg14[%get3A_226] : memref<4000xf32, #tpu.memory_space<vmem>>[vector<16xi32>], vector<16xf32>,
      %gather3A_236 = tpu.vector_load_idx %arg15[%get3A_226] : memref<4000xf32, #tpu.memory_space<vmem>>[vector<16xi32>], vector<16xf32>,
      %gather3A_237 = tpu.vector_load_idx %arg16[%get3A_226] : memref<4000xf32, #tpu.memory_space<vmem>>[vector<16xi32>], vector<16xf32>,
      %sub3A_238 = arith.subf %gather3A_230, %gather3A_234 : vector<16xf32>
      %sub3A_239 = arith.subf %gather3A_232, %gather3A_236 : vector<16xf32>
      %mul3A_240 = arith.mulf %convert_element_type3A_229, %sub3A_239 : vector<16xf32>
      %add3A_241 = arith.addf %sub3A_238, %mul3A_240 : vector<16xf32>
      %sub3A_242 = arith.subf %gather3A_231, %gather3A_235 : vector<16xf32>
      %sub3A_243 = arith.subf %gather3A_233, %gather3A_237 : vector<16xf32>
      %mul3A_244 = arith.mulf %convert_element_type3A_229, %sub3A_243 : vector<16xf32>
      %add3A_245 = arith.addf %sub3A_242, %mul3A_244 : vector<16xf32>
      %mul3A_246 = arith.mulf %add3A_241, %add3A_241 : vector<16xf32>
      %mul3A_247 = arith.mulf %add3A_245, %add3A_245 : vector<16xf32>
      %add3A_248 = arith.addf %mul3A_246, %mul3A_247 : vector<16xf32>
      %ge3A_249 = arith.cmpi sge, %scan3A_219, %select_n3A_6 : i32
      %jit3A_250 = arith.constant 0.000000e+00 : f32
      %broadcast_in_dim3A_251 = vector.broadcast %jit3A_250 : f32 to vector<16xf32>
      %select_n3A_252 = arith.select %ge3A_249, %add3A_248, %broadcast_in_dim3A_251 : vector<16xf32>
      %add3A_253 = arith.addf %scan3A_220, %select_n3A_252 : vector<16xf32>
      %scan3A_254 = arith.constant 1 : i32
      %scan3A_255 = arith.addi %scan3A_219, %scan3A_254 : i32
      %mul3A_256 = arith.constant 16 : i32
      %mul3A_257 = arith.muli %scan3A_255, %mul3A_256 : i32
      %get3A_258 = arith.index_cast %mul3A_257 : i32 to index
      %get3A_259 = tpu.vector_load %arg10[%get3A_258] {strides = array<i32>} : memref<12512xi32, #tpu.memory_space<vmem>>, vector<16xi32>,
      %get3A_260 = arith.index_cast %mul3A_257 : i32 to index
      %get3A_261 = tpu.vector_load %arg11[%get3A_260] {strides = array<i32>} : memref<12512xi32, #tpu.memory_space<vmem>>, vector<16xi32>,
      %get3A_262 = arith.index_cast %mul3A_257 : i32 to index
      %get3A_263 = tpu.vector_load %arg12[%get3A_262] {strides = array<i32>} : memref<12512xi32, #tpu.memory_space<vmem>>, vector<16xi32>,
      %convert_element_type3A_264 = arith.sitofp %get3A_263 : vector<16xi32> to vector<16xf32>
      %gather3A_265 = tpu.vector_load_idx %arg13[%get3A_259] : memref<4000xf32, #tpu.memory_space<vmem>>[vector<16xi32>], vector<16xf32>,
      %gather3A_266 = tpu.vector_load_idx %arg14[%get3A_259] : memref<4000xf32, #tpu.memory_space<vmem>>[vector<16xi32>], vector<16xf32>,
      %gather3A_267 = tpu.vector_load_idx %arg15[%get3A_259] : memref<4000xf32, #tpu.memory_space<vmem>>[vector<16xi32>], vector<16xf32>,
      %gather3A_268 = tpu.vector_load_idx %arg16[%get3A_259] : memref<4000xf32, #tpu.memory_space<vmem>>[vector<16xi32>], vector<16xf32>,
      %gather3A_269 = tpu.vector_load_idx %arg13[%get3A_261] : memref<4000xf32, #tpu.memory_space<vmem>>[vector<16xi32>], vector<16xf32>,
      %gather3A_270 = tpu.vector_load_idx %arg14[%get3A_261] : memref<4000xf32, #tpu.memory_space<vmem>>[vector<16xi32>], vector<16xf32>,
      %gather3A_271 = tpu.vector_load_idx %arg15[%get3A_261] : memref<4000xf32, #tpu.memory_space<vmem>>[vector<16xi32>], vector<16xf32>,
      %gather3A_272 = tpu.vector_load_idx %arg16[%get3A_261] : memref<4000xf32, #tpu.memory_space<vmem>>[vector<16xi32>], vector<16xf32>,
      %sub3A_273 = arith.subf %gather3A_265, %gather3A_269 : vector<16xf32>
      %sub3A_274 = arith.subf %gather3A_267, %gather3A_271 : vector<16xf32>
      %mul3A_275 = arith.mulf %convert_element_type3A_264, %sub3A_274 : vector<16xf32>
      %add3A_276 = arith.addf %sub3A_273, %mul3A_275 : vector<16xf32>
      %sub3A_277 = arith.subf %gather3A_266, %gather3A_270 : vector<16xf32>
      %sub3A_278 = arith.subf %gather3A_268, %gather3A_272 : vector<16xf32>
      %mul3A_279 = arith.mulf %convert_element_type3A_264, %sub3A_278 : vector<16xf32>
      %add3A_280 = arith.addf %sub3A_277, %mul3A_279 : vector<16xf32>
      %mul3A_281 = arith.mulf %add3A_276, %add3A_276 : vector<16xf32>
      %mul3A_282 = arith.mulf %add3A_280, %add3A_280 : vector<16xf32>
      %add3A_283 = arith.addf %mul3A_281, %mul3A_282 : vector<16xf32>
      %ge3A_284 = arith.cmpi sge, %scan3A_255, %select_n3A_6 : i32
      %jit3A_285 = arith.constant 0.000000e+00 : f32
      %broadcast_in_dim3A_286 = vector.broadcast %jit3A_285 : f32 to vector<16xf32>
      %select_n3A_287 = arith.select %ge3A_284, %add3A_283, %broadcast_in_dim3A_286 : vector<16xf32>
      %add3A_288 = arith.addf %add3A_253, %select_n3A_287 : vector<16xf32>
      %scan3A_289 = arith.constant 2 : i32
      %scan3A_290 = arith.addi %scan3A_219, %scan3A_289 : i32
      %mul3A_291 = arith.constant 16 : i32
      %mul3A_292 = arith.muli %scan3A_290, %mul3A_291 : i32
      %get3A_293 = arith.index_cast %mul3A_292 : i32 to index
      %get3A_294 = tpu.vector_load %arg10[%get3A_293] {strides = array<i32>} : memref<12512xi32, #tpu.memory_space<vmem>>, vector<16xi32>,
      %get3A_295 = arith.index_cast %mul3A_292 : i32 to index
      %get3A_296 = tpu.vector_load %arg11[%get3A_295] {strides = array<i32>} : memref<12512xi32, #tpu.memory_space<vmem>>, vector<16xi32>,
      %get3A_297 = arith.index_cast %mul3A_292 : i32 to index
      %get3A_298 = tpu.vector_load %arg12[%get3A_297] {strides = array<i32>} : memref<12512xi32, #tpu.memory_space<vmem>>, vector<16xi32>,
      %convert_element_type3A_299 = arith.sitofp %get3A_298 : vector<16xi32> to vector<16xf32>
      %gather3A_300 = tpu.vector_load_idx %arg13[%get3A_294] : memref<4000xf32, #tpu.memory_space<vmem>>[vector<16xi32>], vector<16xf32>,
      %gather3A_301 = tpu.vector_load_idx %arg14[%get3A_294] : memref<4000xf32, #tpu.memory_space<vmem>>[vector<16xi32>], vector<16xf32>,
      %gather3A_302 = tpu.vector_load_idx %arg15[%get3A_294] : memref<4000xf32, #tpu.memory_space<vmem>>[vector<16xi32>], vector<16xf32>,
      %gather3A_303 = tpu.vector_load_idx %arg16[%get3A_294] : memref<4000xf32, #tpu.memory_space<vmem>>[vector<16xi32>], vector<16xf32>,
      %gather3A_304 = tpu.vector_load_idx %arg13[%get3A_296] : memref<4000xf32, #tpu.memory_space<vmem>>[vector<16xi32>], vector<16xf32>,
      %gather3A_305 = tpu.vector_load_idx %arg14[%get3A_296] : memref<4000xf32, #tpu.memory_space<vmem>>[vector<16xi32>], vector<16xf32>,
      %gather3A_306 = tpu.vector_load_idx %arg15[%get3A_296] : memref<4000xf32, #tpu.memory_space<vmem>>[vector<16xi32>], vector<16xf32>,
      %gather3A_307 = tpu.vector_load_idx %arg16[%get3A_296] : memref<4000xf32, #tpu.memory_space<vmem>>[vector<16xi32>], vector<16xf32>,
      %sub3A_308 = arith.subf %gather3A_300, %gather3A_304 : vector<16xf32>
      %sub3A_309 = arith.subf %gather3A_302, %gather3A_306 : vector<16xf32>
      %mul3A_310 = arith.mulf %convert_element_type3A_299, %sub3A_309 : vector<16xf32>
      %add3A_311 = arith.addf %sub3A_308, %mul3A_310 : vector<16xf32>
      %sub3A_312 = arith.subf %gather3A_301, %gather3A_305 : vector<16xf32>
      %sub3A_313 = arith.subf %gather3A_303, %gather3A_307 : vector<16xf32>
      %mul3A_314 = arith.mulf %convert_element_type3A_299, %sub3A_313 : vector<16xf32>
      %add3A_315 = arith.addf %sub3A_312, %mul3A_314 : vector<16xf32>
      %mul3A_316 = arith.mulf %add3A_311, %add3A_311 : vector<16xf32>
      %mul3A_317 = arith.mulf %add3A_315, %add3A_315 : vector<16xf32>
      %add3A_318 = arith.addf %mul3A_316, %mul3A_317 : vector<16xf32>
      %ge3A_319 = arith.cmpi sge, %scan3A_290, %select_n3A_6 : i32
      %jit3A_320 = arith.constant 0.000000e+00 : f32
      %broadcast_in_dim3A_321 = vector.broadcast %jit3A_320 : f32 to vector<16xf32>
      %select_n3A_322 = arith.select %ge3A_319, %add3A_318, %broadcast_in_dim3A_321 : vector<16xf32>
      %add3A_323 = arith.addf %add3A_288, %select_n3A_322 : vector<16xf32>
      %scan3A_324 = arith.constant 3 : i32
      %scan3A_325 = arith.addi %scan3A_219, %scan3A_324 : i32
      %mul3A_326 = arith.constant 16 : i32
      %mul3A_327 = arith.muli %scan3A_325, %mul3A_326 : i32
      %get3A_328 = arith.index_cast %mul3A_327 : i32 to index
      %get3A_329 = tpu.vector_load %arg10[%get3A_328] {strides = array<i32>} : memref<12512xi32, #tpu.memory_space<vmem>>, vector<16xi32>,
      %get3A_330 = arith.index_cast %mul3A_327 : i32 to index
      %get3A_331 = tpu.vector_load %arg11[%get3A_330] {strides = array<i32>} : memref<12512xi32, #tpu.memory_space<vmem>>, vector<16xi32>,
      %get3A_332 = arith.index_cast %mul3A_327 : i32 to index
      %get3A_333 = tpu.vector_load %arg12[%get3A_332] {strides = array<i32>} : memref<12512xi32, #tpu.memory_space<vmem>>, vector<16xi32>,
      %convert_element_type3A_334 = arith.sitofp %get3A_333 : vector<16xi32> to vector<16xf32>
      %gather3A_335 = tpu.vector_load_idx %arg13[%get3A_329] : memref<4000xf32, #tpu.memory_space<vmem>>[vector<16xi32>], vector<16xf32>,
      %gather3A_336 = tpu.vector_load_idx %arg14[%get3A_329] : memref<4000xf32, #tpu.memory_space<vmem>>[vector<16xi32>], vector<16xf32>,
      %gather3A_337 = tpu.vector_load_idx %arg15[%get3A_329] : memref<4000xf32, #tpu.memory_space<vmem>>[vector<16xi32>], vector<16xf32>,
      %gather3A_338 = tpu.vector_load_idx %arg16[%get3A_329] : memref<4000xf32, #tpu.memory_space<vmem>>[vector<16xi32>], vector<16xf32>,
      %gather3A_339 = tpu.vector_load_idx %arg13[%get3A_331] : memref<4000xf32, #tpu.memory_space<vmem>>[vector<16xi32>], vector<16xf32>,
      %gather3A_340 = tpu.vector_load_idx %arg14[%get3A_331] : memref<4000xf32, #tpu.memory_space<vmem>>[vector<16xi32>], vector<16xf32>,
      %gather3A_341 = tpu.vector_load_idx %arg15[%get3A_331] : memref<4000xf32, #tpu.memory_space<vmem>>[vector<16xi32>], vector<16xf32>,
      %gather3A_342 = tpu.vector_load_idx %arg16[%get3A_331] : memref<4000xf32, #tpu.memory_space<vmem>>[vector<16xi32>], vector<16xf32>,
      %sub3A_343 = arith.subf %gather3A_335, %gather3A_339 : vector<16xf32>
      %sub3A_344 = arith.subf %gather3A_337, %gather3A_341 : vector<16xf32>
      %mul3A_345 = arith.mulf %convert_element_type3A_334, %sub3A_344 : vector<16xf32>
      %add3A_346 = arith.addf %sub3A_343, %mul3A_345 : vector<16xf32>
      %sub3A_347 = arith.subf %gather3A_336, %gather3A_340 : vector<16xf32>
      %sub3A_348 = arith.subf %gather3A_338, %gather3A_342 : vector<16xf32>
      %mul3A_349 = arith.mulf %convert_element_type3A_334, %sub3A_348 : vector<16xf32>
      %add3A_350 = arith.addf %sub3A_347, %mul3A_349 : vector<16xf32>
      %mul3A_351 = arith.mulf %add3A_346, %add3A_346 : vector<16xf32>
      %mul3A_352 = arith.mulf %add3A_350, %add3A_350 : vector<16xf32>
      %add3A_353 = arith.addf %mul3A_351, %mul3A_352 : vector<16xf32>
      %ge3A_354 = arith.cmpi sge, %scan3A_325, %select_n3A_6 : i32
      %jit3A_355 = arith.constant 0.000000e+00 : f32
      %broadcast_in_dim3A_356 = vector.broadcast %jit3A_355 : f32 to vector<16xf32>
      %select_n3A_357 = arith.select %ge3A_354, %add3A_353, %broadcast_in_dim3A_356 : vector<16xf32>
      %add3A_358 = arith.addf %add3A_323, %select_n3A_357 : vector<16xf32>
      %scan3A_359 = arith.constant 4 : i32
      %scan3A_360 = arith.addi %scan3A_219, %scan3A_359 : i32
      %mul3A_361 = arith.constant 16 : i32
      %mul3A_362 = arith.muli %scan3A_360, %mul3A_361 : i32
      %get3A_363 = arith.index_cast %mul3A_362 : i32 to index
      %get3A_364 = tpu.vector_load %arg10[%get3A_363] {strides = array<i32>} : memref<12512xi32, #tpu.memory_space<vmem>>, vector<16xi32>,
      %get3A_365 = arith.index_cast %mul3A_362 : i32 to index
      %get3A_366 = tpu.vector_load %arg11[%get3A_365] {strides = array<i32>} : memref<12512xi32, #tpu.memory_space<vmem>>, vector<16xi32>,
      %get3A_367 = arith.index_cast %mul3A_362 : i32 to index
      %get3A_368 = tpu.vector_load %arg12[%get3A_367] {strides = array<i32>} : memref<12512xi32, #tpu.memory_space<vmem>>, vector<16xi32>,
      %convert_element_type3A_369 = arith.sitofp %get3A_368 : vector<16xi32> to vector<16xf32>
      %gather3A_370 = tpu.vector_load_idx %arg13[%get3A_364] : memref<4000xf32, #tpu.memory_space<vmem>>[vector<16xi32>], vector<16xf32>,
      %gather3A_371 = tpu.vector_load_idx %arg14[%get3A_364] : memref<4000xf32, #tpu.memory_space<vmem>>[vector<16xi32>], vector<16xf32>,
      %gather3A_372 = tpu.vector_load_idx %arg15[%get3A_364] : memref<4000xf32, #tpu.memory_space<vmem>>[vector<16xi32>], vector<16xf32>,
      %gather3A_373 = tpu.vector_load_idx %arg16[%get3A_364] : memref<4000xf32, #tpu.memory_space<vmem>>[vector<16xi32>], vector<16xf32>,
      %gather3A_374 = tpu.vector_load_idx %arg13[%get3A_366] : memref<4000xf32, #tpu.memory_space<vmem>>[vector<16xi32>], vector<16xf32>,
      %gather3A_375 = tpu.vector_load_idx %arg14[%get3A_366] : memref<4000xf32, #tpu.memory_space<vmem>>[vector<16xi32>], vector<16xf32>,
      %gather3A_376 = tpu.vector_load_idx %arg15[%get3A_366] : memref<4000xf32, #tpu.memory_space<vmem>>[vector<16xi32>], vector<16xf32>,
      %gather3A_377 = tpu.vector_load_idx %arg16[%get3A_366] : memref<4000xf32, #tpu.memory_space<vmem>>[vector<16xi32>], vector<16xf32>,
      %sub3A_378 = arith.subf %gather3A_370, %gather3A_374 : vector<16xf32>
      %sub3A_379 = arith.subf %gather3A_372, %gather3A_376 : vector<16xf32>
      %mul3A_380 = arith.mulf %convert_element_type3A_369, %sub3A_379 : vector<16xf32>
      %add3A_381 = arith.addf %sub3A_378, %mul3A_380 : vector<16xf32>
      %sub3A_382 = arith.subf %gather3A_371, %gather3A_375 : vector<16xf32>
      %sub3A_383 = arith.subf %gather3A_373, %gather3A_377 : vector<16xf32>
      %mul3A_384 = arith.mulf %convert_element_type3A_369, %sub3A_383 : vector<16xf32>
      %add3A_385 = arith.addf %sub3A_382, %mul3A_384 : vector<16xf32>
      %mul3A_386 = arith.mulf %add3A_381, %add3A_381 : vector<16xf32>
      %mul3A_387 = arith.mulf %add3A_385, %add3A_385 : vector<16xf32>
      %add3A_388 = arith.addf %mul3A_386, %mul3A_387 : vector<16xf32>
      %ge3A_389 = arith.cmpi sge, %scan3A_360, %select_n3A_6 : i32
      %jit3A_390 = arith.constant 0.000000e+00 : f32
      %broadcast_in_dim3A_391 = vector.broadcast %jit3A_390 : f32 to vector<16xf32>
      %select_n3A_392 = arith.select %ge3A_389, %add3A_388, %broadcast_in_dim3A_391 : vector<16xf32>
      %add3A_393 = arith.addf %add3A_358, %select_n3A_392 : vector<16xf32>
      %scan3A_394 = arith.constant 5 : i32
      %scan3A_395 = arith.addi %scan3A_219, %scan3A_394 : i32
      %mul3A_396 = arith.constant 16 : i32
      %mul3A_397 = arith.muli %scan3A_395, %mul3A_396 : i32
      %get3A_398 = arith.index_cast %mul3A_397 : i32 to index
      %get3A_399 = tpu.vector_load %arg10[%get3A_398] {strides = array<i32>} : memref<12512xi32, #tpu.memory_space<vmem>>, vector<16xi32>,
      %get3A_400 = arith.index_cast %mul3A_397 : i32 to index
      %get3A_401 = tpu.vector_load %arg11[%get3A_400] {strides = array<i32>} : memref<12512xi32, #tpu.memory_space<vmem>>, vector<16xi32>,
      %get3A_402 = arith.index_cast %mul3A_397 : i32 to index
      %get3A_403 = tpu.vector_load %arg12[%get3A_402] {strides = array<i32>} : memref<12512xi32, #tpu.memory_space<vmem>>, vector<16xi32>,
      %convert_element_type3A_404 = arith.sitofp %get3A_403 : vector<16xi32> to vector<16xf32>
      %gather3A_405 = tpu.vector_load_idx %arg13[%get3A_399] : memref<4000xf32, #tpu.memory_space<vmem>>[vector<16xi32>], vector<16xf32>,
      %gather3A_406 = tpu.vector_load_idx %arg14[%get3A_399] : memref<4000xf32, #tpu.memory_space<vmem>>[vector<16xi32>], vector<16xf32>,
      %gather3A_407 = tpu.vector_load_idx %arg15[%get3A_399] : memref<4000xf32, #tpu.memory_space<vmem>>[vector<16xi32>], vector<16xf32>,
      %gather3A_408 = tpu.vector_load_idx %arg16[%get3A_399] : memref<4000xf32, #tpu.memory_space<vmem>>[vector<16xi32>], vector<16xf32>,
      %gather3A_409 = tpu.vector_load_idx %arg13[%get3A_401] : memref<4000xf32, #tpu.memory_space<vmem>>[vector<16xi32>], vector<16xf32>,
      %gather3A_410 = tpu.vector_load_idx %arg14[%get3A_401] : memref<4000xf32, #tpu.memory_space<vmem>>[vector<16xi32>], vector<16xf32>,
      %gather3A_411 = tpu.vector_load_idx %arg15[%get3A_401] : memref<4000xf32, #tpu.memory_space<vmem>>[vector<16xi32>], vector<16xf32>,
      %gather3A_412 = tpu.vector_load_idx %arg16[%get3A_401] : memref<4000xf32, #tpu.memory_space<vmem>>[vector<16xi32>], vector<16xf32>,
      %sub3A_413 = arith.subf %gather3A_405, %gather3A_409 : vector<16xf32>
      %sub3A_414 = arith.subf %gather3A_407, %gather3A_411 : vector<16xf32>
      %mul3A_415 = arith.mulf %convert_element_type3A_404, %sub3A_414 : vector<16xf32>
      %add3A_416 = arith.addf %sub3A_413, %mul3A_415 : vector<16xf32>
      %sub3A_417 = arith.subf %gather3A_406, %gather3A_410 : vector<16xf32>
      %sub3A_418 = arith.subf %gather3A_408, %gather3A_412 : vector<16xf32>
      %mul3A_419 = arith.mulf %convert_element_type3A_404, %sub3A_418 : vector<16xf32>
      %add3A_420 = arith.addf %sub3A_417, %mul3A_419 : vector<16xf32>
      %mul3A_421 = arith.mulf %add3A_416, %add3A_416 : vector<16xf32>
      %mul3A_422 = arith.mulf %add3A_420, %add3A_420 : vector<16xf32>
      %add3A_423 = arith.addf %mul3A_421, %mul3A_422 : vector<16xf32>
      %ge3A_424 = arith.cmpi sge, %scan3A_395, %select_n3A_6 : i32
      %jit3A_425 = arith.constant 0.000000e+00 : f32
      %broadcast_in_dim3A_426 = vector.broadcast %jit3A_425 : f32 to vector<16xf32>
      %select_n3A_427 = arith.select %ge3A_424, %add3A_423, %broadcast_in_dim3A_426 : vector<16xf32>
      %add3A_428 = arith.addf %add3A_393, %select_n3A_427 : vector<16xf32>
      %scan3A_429 = arith.constant 6 : i32
      %scan3A_430 = arith.addi %scan3A_219, %scan3A_429 : i32
      %mul3A_431 = arith.constant 16 : i32
      %mul3A_432 = arith.muli %scan3A_430, %mul3A_431 : i32
      %get3A_433 = arith.index_cast %mul3A_432 : i32 to index
      %get3A_434 = tpu.vector_load %arg10[%get3A_433] {strides = array<i32>} : memref<12512xi32, #tpu.memory_space<vmem>>, vector<16xi32>,
      %get3A_435 = arith.index_cast %mul3A_432 : i32 to index
      %get3A_436 = tpu.vector_load %arg11[%get3A_435] {strides = array<i32>} : memref<12512xi32, #tpu.memory_space<vmem>>, vector<16xi32>,
      %get3A_437 = arith.index_cast %mul3A_432 : i32 to index
      %get3A_438 = tpu.vector_load %arg12[%get3A_437] {strides = array<i32>} : memref<12512xi32, #tpu.memory_space<vmem>>, vector<16xi32>,
      %convert_element_type3A_439 = arith.sitofp %get3A_438 : vector<16xi32> to vector<16xf32>
      %gather3A_440 = tpu.vector_load_idx %arg13[%get3A_434] : memref<4000xf32, #tpu.memory_space<vmem>>[vector<16xi32>], vector<16xf32>,
      %gather3A_441 = tpu.vector_load_idx %arg14[%get3A_434] : memref<4000xf32, #tpu.memory_space<vmem>>[vector<16xi32>], vector<16xf32>,
      %gather3A_442 = tpu.vector_load_idx %arg15[%get3A_434] : memref<4000xf32, #tpu.memory_space<vmem>>[vector<16xi32>], vector<16xf32>,
      %gather3A_443 = tpu.vector_load_idx %arg16[%get3A_434] : memref<4000xf32, #tpu.memory_space<vmem>>[vector<16xi32>], vector<16xf32>,
      %gather3A_444 = tpu.vector_load_idx %arg13[%get3A_436] : memref<4000xf32, #tpu.memory_space<vmem>>[vector<16xi32>], vector<16xf32>,
      %gather3A_445 = tpu.vector_load_idx %arg14[%get3A_436] : memref<4000xf32, #tpu.memory_space<vmem>>[vector<16xi32>], vector<16xf32>,
      %gather3A_446 = tpu.vector_load_idx %arg15[%get3A_436] : memref<4000xf32, #tpu.memory_space<vmem>>[vector<16xi32>], vector<16xf32>,
      %gather3A_447 = tpu.vector_load_idx %arg16[%get3A_436] : memref<4000xf32, #tpu.memory_space<vmem>>[vector<16xi32>], vector<16xf32>,
      %sub3A_448 = arith.subf %gather3A_440, %gather3A_444 : vector<16xf32>
      %sub3A_449 = arith.subf %gather3A_442, %gather3A_446 : vector<16xf32>
      %mul3A_450 = arith.mulf %convert_element_type3A_439, %sub3A_449 : vector<16xf32>
      %add3A_451 = arith.addf %sub3A_448, %mul3A_450 : vector<16xf32>
      %sub3A_452 = arith.subf %gather3A_441, %gather3A_445 : vector<16xf32>
      %sub3A_453 = arith.subf %gather3A_443, %gather3A_447 : vector<16xf32>
      %mul3A_454 = arith.mulf %convert_element_type3A_439, %sub3A_453 : vector<16xf32>
      %add3A_455 = arith.addf %sub3A_452, %mul3A_454 : vector<16xf32>
      %mul3A_456 = arith.mulf %add3A_451, %add3A_451 : vector<16xf32>
      %mul3A_457 = arith.mulf %add3A_455, %add3A_455 : vector<16xf32>
      %add3A_458 = arith.addf %mul3A_456, %mul3A_457 : vector<16xf32>
      %ge3A_459 = arith.cmpi sge, %scan3A_430, %select_n3A_6 : i32
      %jit3A_460 = arith.constant 0.000000e+00 : f32
      %broadcast_in_dim3A_461 = vector.broadcast %jit3A_460 : f32 to vector<16xf32>
      %select_n3A_462 = arith.select %ge3A_459, %add3A_458, %broadcast_in_dim3A_461 : vector<16xf32>
      %add3A_463 = arith.addf %add3A_428, %select_n3A_462 : vector<16xf32>
      %scan3A_464 = arith.constant 7 : i32
      %scan3A_465 = arith.addi %scan3A_219, %scan3A_464 : i32
      %mul3A_466 = arith.constant 16 : i32
      %mul3A_467 = arith.muli %scan3A_465, %mul3A_466 : i32
      %get3A_468 = arith.index_cast %mul3A_467 : i32 to index
      %get3A_469 = tpu.vector_load %arg10[%get3A_468] {strides = array<i32>} : memref<12512xi32, #tpu.memory_space<vmem>>, vector<16xi32>,
      %get3A_470 = arith.index_cast %mul3A_467 : i32 to index
      %get3A_471 = tpu.vector_load %arg11[%get3A_470] {strides = array<i32>} : memref<12512xi32, #tpu.memory_space<vmem>>, vector<16xi32>,
      %get3A_472 = arith.index_cast %mul3A_467 : i32 to index
      %get3A_473 = tpu.vector_load %arg12[%get3A_472] {strides = array<i32>} : memref<12512xi32, #tpu.memory_space<vmem>>, vector<16xi32>,
      %convert_element_type3A_474 = arith.sitofp %get3A_473 : vector<16xi32> to vector<16xf32>
      %gather3A_475 = tpu.vector_load_idx %arg13[%get3A_469] : memref<4000xf32, #tpu.memory_space<vmem>>[vector<16xi32>], vector<16xf32>,
      %gather3A_476 = tpu.vector_load_idx %arg14[%get3A_469] : memref<4000xf32, #tpu.memory_space<vmem>>[vector<16xi32>], vector<16xf32>,
      %gather3A_477 = tpu.vector_load_idx %arg15[%get3A_469] : memref<4000xf32, #tpu.memory_space<vmem>>[vector<16xi32>], vector<16xf32>,
      %gather3A_478 = tpu.vector_load_idx %arg16[%get3A_469] : memref<4000xf32, #tpu.memory_space<vmem>>[vector<16xi32>], vector<16xf32>,
      %gather3A_479 = tpu.vector_load_idx %arg13[%get3A_471] : memref<4000xf32, #tpu.memory_space<vmem>>[vector<16xi32>], vector<16xf32>,
      %gather3A_480 = tpu.vector_load_idx %arg14[%get3A_471] : memref<4000xf32, #tpu.memory_space<vmem>>[vector<16xi32>], vector<16xf32>,
      %gather3A_481 = tpu.vector_load_idx %arg15[%get3A_471] : memref<4000xf32, #tpu.memory_space<vmem>>[vector<16xi32>], vector<16xf32>,
      %gather3A_482 = tpu.vector_load_idx %arg16[%get3A_471] : memref<4000xf32, #tpu.memory_space<vmem>>[vector<16xi32>], vector<16xf32>,
      %sub3A_483 = arith.subf %gather3A_475, %gather3A_479 : vector<16xf32>
      %sub3A_484 = arith.subf %gather3A_477, %gather3A_481 : vector<16xf32>
      %mul3A_485 = arith.mulf %convert_element_type3A_474, %sub3A_484 : vector<16xf32>
      %add3A_486 = arith.addf %sub3A_483, %mul3A_485 : vector<16xf32>
      %sub3A_487 = arith.subf %gather3A_476, %gather3A_480 : vector<16xf32>
      %sub3A_488 = arith.subf %gather3A_478, %gather3A_482 : vector<16xf32>
      %mul3A_489 = arith.mulf %convert_element_type3A_474, %sub3A_488 : vector<16xf32>
      %add3A_490 = arith.addf %sub3A_487, %mul3A_489 : vector<16xf32>
      %mul3A_491 = arith.mulf %add3A_486, %add3A_486 : vector<16xf32>
      %mul3A_492 = arith.mulf %add3A_490, %add3A_490 : vector<16xf32>
      %add3A_493 = arith.addf %mul3A_491, %mul3A_492 : vector<16xf32>
      %ge3A_494 = arith.cmpi sge, %scan3A_465, %select_n3A_6 : i32
      %jit3A_495 = arith.constant 0.000000e+00 : f32
      %broadcast_in_dim3A_496 = vector.broadcast %jit3A_495 : f32 to vector<16xf32>
      %select_n3A_497 = arith.select %ge3A_494, %add3A_493, %broadcast_in_dim3A_496 : vector<16xf32>
      %add3A_498 = arith.addf %add3A_463, %select_n3A_497 : vector<16xf32>
      scf.yield %add3A_498 : vector<16xf32>
    }
    %scan3A_12 = arith.constant 776 : i32
    %scan3A_13 = arith.addi %scan3A, %scan3A_12 : i32
    %mul3A_14 = arith.constant 16 : i32
    %mul3A_15 = arith.muli %scan3A_13, %mul3A_14 : i32
    %get3A = arith.index_cast %mul3A_15 : i32 to index
    %get3A_16 = tpu.vector_load %arg10[%get3A] {strides = array<i32>} : memref<12512xi32, #tpu.memory_space<vmem>>, vector<16xi32>,
    %get3A_17 = arith.index_cast %mul3A_15 : i32 to index
    %get3A_18 = tpu.vector_load %arg11[%get3A_17] {strides = array<i32>} : memref<12512xi32, #tpu.memory_space<vmem>>, vector<16xi32>,
    %get3A_19 = arith.index_cast %mul3A_15 : i32 to index
    %get3A_20 = tpu.vector_load %arg12[%get3A_19] {strides = array<i32>} : memref<12512xi32, #tpu.memory_space<vmem>>, vector<16xi32>,
    %convert_element_type3A = arith.sitofp %get3A_20 : vector<16xi32> to vector<16xf32>
    %gather3A = tpu.vector_load_idx %arg13[%get3A_16] : memref<4000xf32, #tpu.memory_space<vmem>>[vector<16xi32>], vector<16xf32>,
    %gather3A_21 = tpu.vector_load_idx %arg14[%get3A_16] : memref<4000xf32, #tpu.memory_space<vmem>>[vector<16xi32>], vector<16xf32>,
    %gather3A_22 = tpu.vector_load_idx %arg15[%get3A_16] : memref<4000xf32, #tpu.memory_space<vmem>>[vector<16xi32>], vector<16xf32>,
    %gather3A_23 = tpu.vector_load_idx %arg16[%get3A_16] : memref<4000xf32, #tpu.memory_space<vmem>>[vector<16xi32>], vector<16xf32>,
    %gather3A_24 = tpu.vector_load_idx %arg13[%get3A_18] : memref<4000xf32, #tpu.memory_space<vmem>>[vector<16xi32>], vector<16xf32>,
    %gather3A_25 = tpu.vector_load_idx %arg14[%get3A_18] : memref<4000xf32, #tpu.memory_space<vmem>>[vector<16xi32>], vector<16xf32>,
    %gather3A_26 = tpu.vector_load_idx %arg15[%get3A_18] : memref<4000xf32, #tpu.memory_space<vmem>>[vector<16xi32>], vector<16xf32>,
    %gather3A_27 = tpu.vector_load_idx %arg16[%get3A_18] : memref<4000xf32, #tpu.memory_space<vmem>>[vector<16xi32>], vector<16xf32>,
    %sub3A = arith.subf %gather3A, %gather3A_24 : vector<16xf32>
    %sub3A_28 = arith.subf %gather3A_22, %gather3A_26 : vector<16xf32>
    %mul3A_29 = arith.mulf %convert_element_type3A, %sub3A_28 : vector<16xf32>
    %add3A_30 = arith.addf %sub3A, %mul3A_29 : vector<16xf32>
    %sub3A_31 = arith.subf %gather3A_21, %gather3A_25 : vector<16xf32>
    %sub3A_32 = arith.subf %gather3A_23, %gather3A_27 : vector<16xf32>
    %mul3A_33 = arith.mulf %convert_element_type3A, %sub3A_32 : vector<16xf32>
    %add3A_34 = arith.addf %sub3A_31, %mul3A_33 : vector<16xf32>
    %mul3A_35 = arith.mulf %add3A_30, %add3A_30 : vector<16xf32>
    %mul3A_36 = arith.mulf %add3A_34, %add3A_34 : vector<16xf32>
    %add3A_37 = arith.addf %mul3A_35, %mul3A_36 : vector<16xf32>
    %ge3A = arith.cmpi sge, %scan3A_13, %select_n3A_6 : i32
    %jit3A_38 = arith.constant 0.000000e+00 : f32
    %broadcast_in_dim3A_39 = vector.broadcast %jit3A_38 : f32 to vector<16xf32>
    %select_n3A_40 = arith.select %ge3A, %add3A_37, %broadcast_in_dim3A_39 : vector<16xf32>
    %add3A_41 = arith.addf %scan3A_11, %select_n3A_40 : vector<16xf32>
    %scan3A_42 = arith.constant 777 : i32
    %scan3A_43 = arith.addi %scan3A, %scan3A_42 : i32
    %mul3A_44 = arith.constant 16 : i32
    %mul3A_45 = arith.muli %scan3A_43, %mul3A_44 : i32
    %get3A_46 = arith.index_cast %mul3A_45 : i32 to index
    %get3A_47 = tpu.vector_load %arg10[%get3A_46] {strides = array<i32>} : memref<12512xi32, #tpu.memory_space<vmem>>, vector<16xi32>,
    %get3A_48 = arith.index_cast %mul3A_45 : i32 to index
    %get3A_49 = tpu.vector_load %arg11[%get3A_48] {strides = array<i32>} : memref<12512xi32, #tpu.memory_space<vmem>>, vector<16xi32>,
    %get3A_50 = arith.index_cast %mul3A_45 : i32 to index
    %get3A_51 = tpu.vector_load %arg12[%get3A_50] {strides = array<i32>} : memref<12512xi32, #tpu.memory_space<vmem>>, vector<16xi32>,
    %convert_element_type3A_52 = arith.sitofp %get3A_51 : vector<16xi32> to vector<16xf32>
    %gather3A_53 = tpu.vector_load_idx %arg13[%get3A_47] : memref<4000xf32, #tpu.memory_space<vmem>>[vector<16xi32>], vector<16xf32>,
    %gather3A_54 = tpu.vector_load_idx %arg14[%get3A_47] : memref<4000xf32, #tpu.memory_space<vmem>>[vector<16xi32>], vector<16xf32>,
    %gather3A_55 = tpu.vector_load_idx %arg15[%get3A_47] : memref<4000xf32, #tpu.memory_space<vmem>>[vector<16xi32>], vector<16xf32>,
    %gather3A_56 = tpu.vector_load_idx %arg16[%get3A_47] : memref<4000xf32, #tpu.memory_space<vmem>>[vector<16xi32>], vector<16xf32>,
    %gather3A_57 = tpu.vector_load_idx %arg13[%get3A_49] : memref<4000xf32, #tpu.memory_space<vmem>>[vector<16xi32>], vector<16xf32>,
    %gather3A_58 = tpu.vector_load_idx %arg14[%get3A_49] : memref<4000xf32, #tpu.memory_space<vmem>>[vector<16xi32>], vector<16xf32>,
    %gather3A_59 = tpu.vector_load_idx %arg15[%get3A_49] : memref<4000xf32, #tpu.memory_space<vmem>>[vector<16xi32>], vector<16xf32>,
    %gather3A_60 = tpu.vector_load_idx %arg16[%get3A_49] : memref<4000xf32, #tpu.memory_space<vmem>>[vector<16xi32>], vector<16xf32>,
    %sub3A_61 = arith.subf %gather3A_53, %gather3A_57 : vector<16xf32>
    %sub3A_62 = arith.subf %gather3A_55, %gather3A_59 : vector<16xf32>
    %mul3A_63 = arith.mulf %convert_element_type3A_52, %sub3A_62 : vector<16xf32>
    %add3A_64 = arith.addf %sub3A_61, %mul3A_63 : vector<16xf32>
    %sub3A_65 = arith.subf %gather3A_54, %gather3A_58 : vector<16xf32>
    %sub3A_66 = arith.subf %gather3A_56, %gather3A_60 : vector<16xf32>
    %mul3A_67 = arith.mulf %convert_element_type3A_52, %sub3A_66 : vector<16xf32>
    %add3A_68 = arith.addf %sub3A_65, %mul3A_67 : vector<16xf32>
    %mul3A_69 = arith.mulf %add3A_64, %add3A_64 : vector<16xf32>
    %mul3A_70 = arith.mulf %add3A_68, %add3A_68 : vector<16xf32>
    %add3A_71 = arith.addf %mul3A_69, %mul3A_70 : vector<16xf32>
    %ge3A_72 = arith.cmpi sge, %scan3A_43, %select_n3A_6 : i32
    %jit3A_73 = arith.constant 0.000000e+00 : f32
    %broadcast_in_dim3A_74 = vector.broadcast %jit3A_73 : f32 to vector<16xf32>
    %select_n3A_75 = arith.select %ge3A_72, %add3A_71, %broadcast_in_dim3A_74 : vector<16xf32>
    %add3A_76 = arith.addf %add3A_41, %select_n3A_75 : vector<16xf32>
    %scan3A_77 = arith.constant 778 : i32
    %scan3A_78 = arith.addi %scan3A, %scan3A_77 : i32
    %mul3A_79 = arith.constant 16 : i32
    %mul3A_80 = arith.muli %scan3A_78, %mul3A_79 : i32
    %get3A_81 = arith.index_cast %mul3A_80 : i32 to index
    %get3A_82 = tpu.vector_load %arg10[%get3A_81] {strides = array<i32>} : memref<12512xi32, #tpu.memory_space<vmem>>, vector<16xi32>,
    %get3A_83 = arith.index_cast %mul3A_80 : i32 to index
    %get3A_84 = tpu.vector_load %arg11[%get3A_83] {strides = array<i32>} : memref<12512xi32, #tpu.memory_space<vmem>>, vector<16xi32>,
    %get3A_85 = arith.index_cast %mul3A_80 : i32 to index
    %get3A_86 = tpu.vector_load %arg12[%get3A_85] {strides = array<i32>} : memref<12512xi32, #tpu.memory_space<vmem>>, vector<16xi32>,
    %convert_element_type3A_87 = arith.sitofp %get3A_86 : vector<16xi32> to vector<16xf32>
    %gather3A_88 = tpu.vector_load_idx %arg13[%get3A_82] : memref<4000xf32, #tpu.memory_space<vmem>>[vector<16xi32>], vector<16xf32>,
    %gather3A_89 = tpu.vector_load_idx %arg14[%get3A_82] : memref<4000xf32, #tpu.memory_space<vmem>>[vector<16xi32>], vector<16xf32>,
    %gather3A_90 = tpu.vector_load_idx %arg15[%get3A_82] : memref<4000xf32, #tpu.memory_space<vmem>>[vector<16xi32>], vector<16xf32>,
    %gather3A_91 = tpu.vector_load_idx %arg16[%get3A_82] : memref<4000xf32, #tpu.memory_space<vmem>>[vector<16xi32>], vector<16xf32>,
    %gather3A_92 = tpu.vector_load_idx %arg13[%get3A_84] : memref<4000xf32, #tpu.memory_space<vmem>>[vector<16xi32>], vector<16xf32>,
    %gather3A_93 = tpu.vector_load_idx %arg14[%get3A_84] : memref<4000xf32, #tpu.memory_space<vmem>>[vector<16xi32>], vector<16xf32>,
    %gather3A_94 = tpu.vector_load_idx %arg15[%get3A_84] : memref<4000xf32, #tpu.memory_space<vmem>>[vector<16xi32>], vector<16xf32>,
    %gather3A_95 = tpu.vector_load_idx %arg16[%get3A_84] : memref<4000xf32, #tpu.memory_space<vmem>>[vector<16xi32>], vector<16xf32>,
    %sub3A_96 = arith.subf %gather3A_88, %gather3A_92 : vector<16xf32>
    %sub3A_97 = arith.subf %gather3A_90, %gather3A_94 : vector<16xf32>
    %mul3A_98 = arith.mulf %convert_element_type3A_87, %sub3A_97 : vector<16xf32>
    %add3A_99 = arith.addf %sub3A_96, %mul3A_98 : vector<16xf32>
    %sub3A_100 = arith.subf %gather3A_89, %gather3A_93 : vector<16xf32>
    %sub3A_101 = arith.subf %gather3A_91, %gather3A_95 : vector<16xf32>
    %mul3A_102 = arith.mulf %convert_element_type3A_87, %sub3A_101 : vector<16xf32>
    %add3A_103 = arith.addf %sub3A_100, %mul3A_102 : vector<16xf32>
    %mul3A_104 = arith.mulf %add3A_99, %add3A_99 : vector<16xf32>
    %mul3A_105 = arith.mulf %add3A_103, %add3A_103 : vector<16xf32>
    %add3A_106 = arith.addf %mul3A_104, %mul3A_105 : vector<16xf32>
    %ge3A_107 = arith.cmpi sge, %scan3A_78, %select_n3A_6 : i32
    %jit3A_108 = arith.constant 0.000000e+00 : f32
    %broadcast_in_dim3A_109 = vector.broadcast %jit3A_108 : f32 to vector<16xf32>
    %select_n3A_110 = arith.select %ge3A_107, %add3A_106, %broadcast_in_dim3A_109 : vector<16xf32>
    %add3A_111 = arith.addf %add3A_76, %select_n3A_110 : vector<16xf32>
    %scan3A_112 = arith.constant 779 : i32
    %scan3A_113 = arith.addi %scan3A, %scan3A_112 : i32
    %mul3A_114 = arith.constant 16 : i32
    %mul3A_115 = arith.muli %scan3A_113, %mul3A_114 : i32
    %get3A_116 = arith.index_cast %mul3A_115 : i32 to index
    %get3A_117 = tpu.vector_load %arg10[%get3A_116] {strides = array<i32>} : memref<12512xi32, #tpu.memory_space<vmem>>, vector<16xi32>,
    %get3A_118 = arith.index_cast %mul3A_115 : i32 to index
    %get3A_119 = tpu.vector_load %arg11[%get3A_118] {strides = array<i32>} : memref<12512xi32, #tpu.memory_space<vmem>>, vector<16xi32>,
    %get3A_120 = arith.index_cast %mul3A_115 : i32 to index
    %get3A_121 = tpu.vector_load %arg12[%get3A_120] {strides = array<i32>} : memref<12512xi32, #tpu.memory_space<vmem>>, vector<16xi32>,
    %convert_element_type3A_122 = arith.sitofp %get3A_121 : vector<16xi32> to vector<16xf32>
    %gather3A_123 = tpu.vector_load_idx %arg13[%get3A_117] : memref<4000xf32, #tpu.memory_space<vmem>>[vector<16xi32>], vector<16xf32>,
    %gather3A_124 = tpu.vector_load_idx %arg14[%get3A_117] : memref<4000xf32, #tpu.memory_space<vmem>>[vector<16xi32>], vector<16xf32>,
    %gather3A_125 = tpu.vector_load_idx %arg15[%get3A_117] : memref<4000xf32, #tpu.memory_space<vmem>>[vector<16xi32>], vector<16xf32>,
    %gather3A_126 = tpu.vector_load_idx %arg16[%get3A_117] : memref<4000xf32, #tpu.memory_space<vmem>>[vector<16xi32>], vector<16xf32>,
    %gather3A_127 = tpu.vector_load_idx %arg13[%get3A_119] : memref<4000xf32, #tpu.memory_space<vmem>>[vector<16xi32>], vector<16xf32>,
    %gather3A_128 = tpu.vector_load_idx %arg14[%get3A_119] : memref<4000xf32, #tpu.memory_space<vmem>>[vector<16xi32>], vector<16xf32>,
    %gather3A_129 = tpu.vector_load_idx %arg15[%get3A_119] : memref<4000xf32, #tpu.memory_space<vmem>>[vector<16xi32>], vector<16xf32>,
    %gather3A_130 = tpu.vector_load_idx %arg16[%get3A_119] : memref<4000xf32, #tpu.memory_space<vmem>>[vector<16xi32>], vector<16xf32>,
    %sub3A_131 = arith.subf %gather3A_123, %gather3A_127 : vector<16xf32>
    %sub3A_132 = arith.subf %gather3A_125, %gather3A_129 : vector<16xf32>
    %mul3A_133 = arith.mulf %convert_element_type3A_122, %sub3A_132 : vector<16xf32>
    %add3A_134 = arith.addf %sub3A_131, %mul3A_133 : vector<16xf32>
    %sub3A_135 = arith.subf %gather3A_124, %gather3A_128 : vector<16xf32>
    %sub3A_136 = arith.subf %gather3A_126, %gather3A_130 : vector<16xf32>
    %mul3A_137 = arith.mulf %convert_element_type3A_122, %sub3A_136 : vector<16xf32>
    %add3A_138 = arith.addf %sub3A_135, %mul3A_137 : vector<16xf32>
    %mul3A_139 = arith.mulf %add3A_134, %add3A_134 : vector<16xf32>
    %mul3A_140 = arith.mulf %add3A_138, %add3A_138 : vector<16xf32>
    %add3A_141 = arith.addf %mul3A_139, %mul3A_140 : vector<16xf32>
    %ge3A_142 = arith.cmpi sge, %scan3A_113, %select_n3A_6 : i32
    %jit3A_143 = arith.constant 0.000000e+00 : f32
    %broadcast_in_dim3A_144 = vector.broadcast %jit3A_143 : f32 to vector<16xf32>
    %select_n3A_145 = arith.select %ge3A_142, %add3A_141, %broadcast_in_dim3A_144 : vector<16xf32>
    %add3A_146 = arith.addf %add3A_111, %select_n3A_145 : vector<16xf32>
    %scan3A_147 = arith.constant 780 : i32
    %scan3A_148 = arith.addi %scan3A, %scan3A_147 : i32
    %mul3A_149 = arith.constant 16 : i32
    %mul3A_150 = arith.muli %scan3A_148, %mul3A_149 : i32
    %get3A_151 = arith.index_cast %mul3A_150 : i32 to index
    %get3A_152 = tpu.vector_load %arg10[%get3A_151] {strides = array<i32>} : memref<12512xi32, #tpu.memory_space<vmem>>, vector<16xi32>,
    %get3A_153 = arith.index_cast %mul3A_150 : i32 to index
    %get3A_154 = tpu.vector_load %arg11[%get3A_153] {strides = array<i32>} : memref<12512xi32, #tpu.memory_space<vmem>>, vector<16xi32>,
    %get3A_155 = arith.index_cast %mul3A_150 : i32 to index
    %get3A_156 = tpu.vector_load %arg12[%get3A_155] {strides = array<i32>} : memref<12512xi32, #tpu.memory_space<vmem>>, vector<16xi32>,
    %convert_element_type3A_157 = arith.sitofp %get3A_156 : vector<16xi32> to vector<16xf32>
    %gather3A_158 = tpu.vector_load_idx %arg13[%get3A_152] : memref<4000xf32, #tpu.memory_space<vmem>>[vector<16xi32>], vector<16xf32>,
    %gather3A_159 = tpu.vector_load_idx %arg14[%get3A_152] : memref<4000xf32, #tpu.memory_space<vmem>>[vector<16xi32>], vector<16xf32>,
    %gather3A_160 = tpu.vector_load_idx %arg15[%get3A_152] : memref<4000xf32, #tpu.memory_space<vmem>>[vector<16xi32>], vector<16xf32>,
    %gather3A_161 = tpu.vector_load_idx %arg16[%get3A_152] : memref<4000xf32, #tpu.memory_space<vmem>>[vector<16xi32>], vector<16xf32>,
    %gather3A_162 = tpu.vector_load_idx %arg13[%get3A_154] : memref<4000xf32, #tpu.memory_space<vmem>>[vector<16xi32>], vector<16xf32>,
    %gather3A_163 = tpu.vector_load_idx %arg14[%get3A_154] : memref<4000xf32, #tpu.memory_space<vmem>>[vector<16xi32>], vector<16xf32>,
    %gather3A_164 = tpu.vector_load_idx %arg15[%get3A_154] : memref<4000xf32, #tpu.memory_space<vmem>>[vector<16xi32>], vector<16xf32>,
    %gather3A_165 = tpu.vector_load_idx %arg16[%get3A_154] : memref<4000xf32, #tpu.memory_space<vmem>>[vector<16xi32>], vector<16xf32>,
    %sub3A_166 = arith.subf %gather3A_158, %gather3A_162 : vector<16xf32>
    %sub3A_167 = arith.subf %gather3A_160, %gather3A_164 : vector<16xf32>
    %mul3A_168 = arith.mulf %convert_element_type3A_157, %sub3A_167 : vector<16xf32>
    %add3A_169 = arith.addf %sub3A_166, %mul3A_168 : vector<16xf32>
    %sub3A_170 = arith.subf %gather3A_159, %gather3A_163 : vector<16xf32>
    %sub3A_171 = arith.subf %gather3A_161, %gather3A_165 : vector<16xf32>
    %mul3A_172 = arith.mulf %convert_element_type3A_157, %sub3A_171 : vector<16xf32>
    %add3A_173 = arith.addf %sub3A_170, %mul3A_172 : vector<16xf32>
    %mul3A_174 = arith.mulf %add3A_169, %add3A_169 : vector<16xf32>
    %mul3A_175 = arith.mulf %add3A_173, %add3A_173 : vector<16xf32>
    %add3A_176 = arith.addf %mul3A_174, %mul3A_175 : vector<16xf32>
    %ge3A_177 = arith.cmpi sge, %scan3A_148, %select_n3A_6 : i32
    %jit3A_178 = arith.constant 0.000000e+00 : f32
    %broadcast_in_dim3A_179 = vector.broadcast %jit3A_178 : f32 to vector<16xf32>
    %select_n3A_180 = arith.select %ge3A_177, %add3A_176, %broadcast_in_dim3A_179 : vector<16xf32>
    %add3A_181 = arith.addf %add3A_146, %select_n3A_180 : vector<16xf32>
    %scan3A_182 = arith.constant 781 : i32
    %scan3A_183 = arith.addi %scan3A, %scan3A_182 : i32
    %mul3A_184 = arith.constant 16 : i32
    %mul3A_185 = arith.muli %scan3A_183, %mul3A_184 : i32
    %get3A_186 = arith.index_cast %mul3A_185 : i32 to index
    %get3A_187 = tpu.vector_load %arg10[%get3A_186] {strides = array<i32>} : memref<12512xi32, #tpu.memory_space<vmem>>, vector<16xi32>,
    %get3A_188 = arith.index_cast %mul3A_185 : i32 to index
    %get3A_189 = tpu.vector_load %arg11[%get3A_188] {strides = array<i32>} : memref<12512xi32, #tpu.memory_space<vmem>>, vector<16xi32>,
    %get3A_190 = arith.index_cast %mul3A_185 : i32 to index
    %get3A_191 = tpu.vector_load %arg12[%get3A_190] {strides = array<i32>} : memref<12512xi32, #tpu.memory_space<vmem>>, vector<16xi32>,
    %convert_element_type3A_192 = arith.sitofp %get3A_191 : vector<16xi32> to vector<16xf32>
    %gather3A_193 = tpu.vector_load_idx %arg13[%get3A_187] : memref<4000xf32, #tpu.memory_space<vmem>>[vector<16xi32>], vector<16xf32>,
    %gather3A_194 = tpu.vector_load_idx %arg14[%get3A_187] : memref<4000xf32, #tpu.memory_space<vmem>>[vector<16xi32>], vector<16xf32>,
    %gather3A_195 = tpu.vector_load_idx %arg15[%get3A_187] : memref<4000xf32, #tpu.memory_space<vmem>>[vector<16xi32>], vector<16xf32>,
    %gather3A_196 = tpu.vector_load_idx %arg16[%get3A_187] : memref<4000xf32, #tpu.memory_space<vmem>>[vector<16xi32>], vector<16xf32>,
    %gather3A_197 = tpu.vector_load_idx %arg13[%get3A_189] : memref<4000xf32, #tpu.memory_space<vmem>>[vector<16xi32>], vector<16xf32>,
    %gather3A_198 = tpu.vector_load_idx %arg14[%get3A_189] : memref<4000xf32, #tpu.memory_space<vmem>>[vector<16xi32>], vector<16xf32>,
    %gather3A_199 = tpu.vector_load_idx %arg15[%get3A_189] : memref<4000xf32, #tpu.memory_space<vmem>>[vector<16xi32>], vector<16xf32>,
    %gather3A_200 = tpu.vector_load_idx %arg16[%get3A_189] : memref<4000xf32, #tpu.memory_space<vmem>>[vector<16xi32>], vector<16xf32>,
    %sub3A_201 = arith.subf %gather3A_193, %gather3A_197 : vector<16xf32>
    %sub3A_202 = arith.subf %gather3A_195, %gather3A_199 : vector<16xf32>
    %mul3A_203 = arith.mulf %convert_element_type3A_192, %sub3A_202 : vector<16xf32>
    %add3A_204 = arith.addf %sub3A_201, %mul3A_203 : vector<16xf32>
    %sub3A_205 = arith.subf %gather3A_194, %gather3A_198 : vector<16xf32>
    %sub3A_206 = arith.subf %gather3A_196, %gather3A_200 : vector<16xf32>
    %mul3A_207 = arith.mulf %convert_element_type3A_192, %sub3A_206 : vector<16xf32>
    %add3A_208 = arith.addf %sub3A_205, %mul3A_207 : vector<16xf32>
    %mul3A_209 = arith.mulf %add3A_204, %add3A_204 : vector<16xf32>
    %mul3A_210 = arith.mulf %add3A_208, %add3A_208 : vector<16xf32>
    %add3A_211 = arith.addf %mul3A_209, %mul3A_210 : vector<16xf32>
    %ge3A_212 = arith.cmpi sge, %scan3A_183, %select_n3A_6 : i32
    %jit3A_213 = arith.constant 0.000000e+00 : f32
    %broadcast_in_dim3A_214 = vector.broadcast %jit3A_213 : f32 to vector<16xf32>
    %select_n3A_215 = arith.select %ge3A_212, %add3A_211, %broadcast_in_dim3A_214 : vector<16xf32>
    %add3A_216 = arith.addf %add3A_181, %select_n3A_215 : vector<16xf32>
    %scan3A_217 = arith.constant 782 : i32
    %swap3A = arith.constant 0 : index
    %swap3A_218 = tpu.vector_load %arg17[%swap3A] {strides = array<i32>} : memref<16xf32, #tpu.memory_space<vmem>>, vector<16xf32>,
    tpu.vector_store %arg17[%swap3A], %add3A_216 {strides = array<i32>} : memref<16xf32, #tpu.memory_space<vmem>>, vector<16xf32>,
    "tpu.region"() ({
      %run_scoped3A = tpu.sem_alloc : memref<!tpu.dma_semaphore, #tpu.memory_space<semaphore_mem>>
      %dma_start3A = arith.constant 0 : i32
      %dma_start3A_219 = tpu.memref_slice %arg9[%add3A, %dma_start3A] : memref<32x16xf32, #tpu.memory_space<hbm>> -> memref<1x16xf32, #tpu.memory_space<hbm>>
      %dma_start3A_220 = tpu.memref_squeeze %dma_start3A_219 : memref<1x16xf32, #tpu.memory_space<hbm>> -> memref<16xf32, #tpu.memory_space<hbm>>
      %dma_start3A_221 = arith.constant 0 : i32
      %dma_start3A_222 = tpu.memref_slice %arg9[%add3A, %dma_start3A_221] : memref<32x16xf32, #tpu.memory_space<hbm>> -> memref<1x16xf32, #tpu.memory_space<hbm>>
      %dma_start3A_223 = tpu.memref_squeeze %dma_start3A_222 : memref<1x16xf32, #tpu.memory_space<hbm>> -> memref<16xf32, #tpu.memory_space<hbm>>
      tpu.enqueue_dma source(%arg17 : memref<16xf32, #tpu.memory_space<vmem>>) target(%dma_start3A_223 : memref<16xf32, #tpu.memory_space<hbm>>) target_semaphore(%run_scoped3A : memref<!tpu.dma_semaphore, #tpu.memory_space<semaphore_mem>>)
      %dma_wait3A = arith.constant 0 : i32
      %dma_wait3A_224 = tpu.memref_slice %arg9[%add3A, %dma_wait3A] : memref<32x16xf32, #tpu.memory_space<hbm>> -> memref<1x16xf32, #tpu.memory_space<hbm>>
      %dma_wait3A_225 = tpu.memref_squeeze %dma_wait3A_224 : memref<1x16xf32, #tpu.memory_space<hbm>> -> memref<16xf32, #tpu.memory_space<hbm>>
      %dma_wait3A_226 = arith.constant 0 : i32
      %dma_wait3A_227 = tpu.memref_slice %arg9[%add3A, %dma_wait3A_226] : memref<32x16xf32, #tpu.memory_space<hbm>> -> memref<1x16xf32, #tpu.memory_space<hbm>>
      %dma_wait3A_228 = tpu.memref_squeeze %dma_wait3A_227 : memref<1x16xf32, #tpu.memory_space<hbm>> -> memref<16xf32, #tpu.memory_space<hbm>>
      tpu.wait_dma2 semaphore(%run_scoped3A : memref<!tpu.dma_semaphore, #tpu.memory_space<semaphore_mem>>) src(%arg17 : memref<16xf32, #tpu.memory_space<vmem>>) dst(%dma_wait3A_228 : memref<16xf32, #tpu.memory_space<hbm>>)
      tpu.yield
    }) : () -> ()
    return
  }
}

module attributes {stable_mosaic.version = 14 : i64} {
  func.func @_pair_body(%arg0: i32, %arg1: i32, %arg2: memref<1x1xf32, #tpu.memory_space<smem>>, %arg3: memref<1x1xf32, #tpu.memory_space<smem>>, %arg4: memref<1x1xf32, #tpu.memory_space<smem>>, %arg5: memref<512x1xf32, #tpu.memory_space<vmem>>, %arg6: memref<512x1xf32, #tpu.memory_space<vmem>>, %arg7: memref<512x1xf32, #tpu.memory_space<vmem>>, %arg8: memref<512x1xf32, #tpu.memory_space<vmem>>, %arg9: memref<1x512xf32, #tpu.memory_space<vmem>>, %arg10: memref<1x512xf32, #tpu.memory_space<vmem>>, %arg11: memref<1x512xf32, #tpu.memory_space<vmem>>, %arg12: memref<1x512xf32, #tpu.memory_space<vmem>>, %arg13: memref<1x1xf32, #tpu.memory_space<vmem>>) attributes {dimension_semantics = [#tpu.dimension_semantics<arbitrary>, #tpu.dimension_semantics<arbitrary>], iteration_bounds = array<i64: 4, 9>, scalar_prefetch = 0 : i64, scratch_operands = 0 : i64, tpu.core_type = #tpu.core_type<tc>, window_params = [{transform_indices = @transform_0, window_bounds = array<i64: 1, 1>}, {transform_indices = @transform_1, window_bounds = array<i64: 1, 1>}, {transform_indices = @transform_2, window_bounds = array<i64: 1, 1>}, {transform_indices = @transform_3, window_bounds = array<i64: 512, 1>}, {transform_indices = @transform_4, window_bounds = array<i64: 512, 1>}, {transform_indices = @transform_5, window_bounds = array<i64: 512, 1>}, {transform_indices = @transform_6, window_bounds = array<i64: 512, 1>}, {transform_indices = @transform_7, window_bounds = array<i64: 1, 512>}, {transform_indices = @transform_8, window_bounds = array<i64: 1, 512>}, {transform_indices = @transform_9, window_bounds = array<i64: 1, 512>}, {transform_indices = @transform_10, window_bounds = array<i64: 1, 512>}, {pipeline_mode = #tpu.pipeline_mode<synchronous>, transform_indices = @transform_11, window_bounds = array<i64: 1, 1>}]} {
    %sub3A = arith.constant 8 : i32
    %sub3A_0 = arith.subi %sub3A, %arg0 : i32
    %lt3A = arith.cmpi slt, %arg1, %sub3A_0 : i32
    %sub3A_1 = arith.constant 7 : i32
    %sub3A_2 = arith.subi %sub3A_1, %arg0 : i32
    %select_n3A = arith.select %lt3A, %arg0, %sub3A_2 : i32
    %sub3A_3 = arith.constant 8 : i32
    %sub3A_4 = arith.subi %sub3A_3, %arg0 : i32
    %lt3A_5 = arith.cmpi slt, %arg1, %sub3A_4 : i32
    %add3A = arith.addi %arg0, %arg1 : i32
    %sub3A_6 = arith.constant 1 : i32
    %sub3A_7 = arith.subi %arg1, %sub3A_6 : i32
    %select_n3A_8 = arith.select %lt3A_5, %add3A, %sub3A_7 : i32
    %eq3A = arith.constant 0 : i32
    %eq3A_9 = arith.cmpi eq, %arg0, %eq3A : i32
    %eq3A_10 = arith.constant 0 : i32
    %eq3A_11 = arith.cmpi eq, %arg1, %eq3A_10 : i32
    %and3A = arith.andi %eq3A_9, %eq3A_11 : i1
    %convert_element_type3A = arith.extui %and3A : i1 to i32
    %cond3A = arith.constant 0 : i32
    %cond3A_12 = arith.cmpi ne, %convert_element_type3A, %cond3A : i32
    scf.if %cond3A_12 {
      %broadcast_in_dim3A = arith.constant 0.000000e+00 : f32
      %broadcast_in_dim3A_81 = vector.broadcast %broadcast_in_dim3A : f32 to vector<1x1xf32>
      %swap3A = arith.constant 0 : index
      %swap3A_82 = arith.constant 0 : index
      %swap3A_83 = vector.load %arg13[%swap3A, %swap3A_82] : memref<1x1xf32, #tpu.memory_space<vmem>>, vector<1x1xf32>
      tpu.vector_store %arg13[%swap3A, %swap3A_82], %broadcast_in_dim3A_81 {strides = array<i32>} : memref<1x1xf32, #tpu.memory_space<vmem>>, vector<1x1xf32>,
    } else {
    }
    %get3A = arith.constant 0 : index
    %get3A_13 = arith.constant 0 : index
    %get3A_14 = memref.load %arg2[%get3A, %get3A_13] : memref<1x1xf32, #tpu.memory_space<smem>>
    %convert_element_type3A_15 = arith.truncf %get3A_14 : f32 to bf16
    %get3A_16 = arith.constant 0 : index
    %get3A_17 = arith.constant 0 : index
    %get3A_18 = memref.load %arg3[%get3A_16, %get3A_17] : memref<1x1xf32, #tpu.memory_space<smem>>
    %convert_element_type3A_19 = arith.truncf %get3A_18 : f32 to bf16
    %get3A_20 = arith.constant 0 : index
    %get3A_21 = arith.constant 0 : index
    %get3A_22 = memref.load %arg4[%get3A_20, %get3A_21] : memref<1x1xf32, #tpu.memory_space<smem>>
    %convert_element_type3A_23 = arith.truncf %get3A_22 : f32 to bf16
    %get3A_24 = arith.constant 0 : index
    %get3A_25 = arith.constant 0 : index
    %get3A_26 = vector.load %arg5[%get3A_24, %get3A_25] : memref<512x1xf32, #tpu.memory_space<vmem>>, vector<512x1xf32>
    %convert_element_type3A_27 = arith.truncf %get3A_26 : vector<512x1xf32> to vector<512x1xbf16>
    %get3A_28 = arith.constant 0 : index
    %get3A_29 = arith.constant 0 : index
    %get3A_30 = vector.load %arg9[%get3A_28, %get3A_29] : memref<1x512xf32, #tpu.memory_space<vmem>>, vector<1x512xf32>
    %convert_element_type3A_31 = arith.truncf %get3A_30 : vector<1x512xf32> to vector<1x512xbf16>
    %sub3A_32 = vector.broadcast %convert_element_type3A_27 : vector<512x1xbf16> to vector<512x512xbf16>
    %sub3A_33 = vector.broadcast %convert_element_type3A_31 : vector<1x512xbf16> to vector<512x512xbf16>
    %sub3A_34 = arith.subf %sub3A_32, %sub3A_33 : vector<512x512xbf16>
    %get3A_35 = arith.constant 0 : index
    %get3A_36 = arith.constant 0 : index
    %get3A_37 = vector.load %arg6[%get3A_35, %get3A_36] : memref<512x1xf32, #tpu.memory_space<vmem>>, vector<512x1xf32>
    %convert_element_type3A_38 = arith.truncf %get3A_37 : vector<512x1xf32> to vector<512x1xbf16>
    %get3A_39 = arith.constant 0 : index
    %get3A_40 = arith.constant 0 : index
    %get3A_41 = vector.load %arg10[%get3A_39, %get3A_40] : memref<1x512xf32, #tpu.memory_space<vmem>>, vector<1x512xf32>
    %convert_element_type3A_42 = arith.truncf %get3A_41 : vector<1x512xf32> to vector<1x512xbf16>
    %sub3A_43 = vector.broadcast %convert_element_type3A_38 : vector<512x1xbf16> to vector<512x512xbf16>
    %sub3A_44 = vector.broadcast %convert_element_type3A_42 : vector<1x512xbf16> to vector<512x512xbf16>
    %sub3A_45 = arith.subf %sub3A_43, %sub3A_44 : vector<512x512xbf16>
    %get3A_46 = arith.constant 0 : index
    %get3A_47 = arith.constant 0 : index
    %get3A_48 = vector.load %arg7[%get3A_46, %get3A_47] : memref<512x1xf32, #tpu.memory_space<vmem>>, vector<512x1xf32>
    %convert_element_type3A_49 = arith.truncf %get3A_48 : vector<512x1xf32> to vector<512x1xbf16>
    %get3A_50 = arith.constant 0 : index
    %get3A_51 = arith.constant 0 : index
    %get3A_52 = vector.load %arg11[%get3A_50, %get3A_51] : memref<1x512xf32, #tpu.memory_space<vmem>>, vector<1x512xf32>
    %convert_element_type3A_53 = arith.truncf %get3A_52 : vector<1x512xf32> to vector<1x512xbf16>
    %sub3A_54 = vector.broadcast %convert_element_type3A_49 : vector<512x1xbf16> to vector<512x512xbf16>
    %sub3A_55 = vector.broadcast %convert_element_type3A_53 : vector<1x512xbf16> to vector<512x512xbf16>
    %sub3A_56 = arith.subf %sub3A_54, %sub3A_55 : vector<512x512xbf16>
    %get3A_57 = arith.constant 0 : index
    %get3A_58 = arith.constant 0 : index
    %get3A_59 = vector.load %arg8[%get3A_57, %get3A_58] : memref<512x1xf32, #tpu.memory_space<vmem>>, vector<512x1xf32>
    %convert_element_type3A_60 = arith.truncf %get3A_59 : vector<512x1xf32> to vector<512x1xbf16>
    %get3A_61 = arith.constant 0 : index
    %get3A_62 = arith.constant 0 : index
    %get3A_63 = vector.load %arg12[%get3A_61, %get3A_62] : memref<1x512xf32, #tpu.memory_space<vmem>>, vector<1x512xf32>
    %convert_element_type3A_64 = arith.truncf %get3A_63 : vector<1x512xf32> to vector<1x512xbf16>
    %sub3A_65 = vector.broadcast %convert_element_type3A_60 : vector<512x1xbf16> to vector<512x512xbf16>
    %sub3A_66 = vector.broadcast %convert_element_type3A_64 : vector<1x512xbf16> to vector<512x512xbf16>
    %sub3A_67 = arith.subf %sub3A_65, %sub3A_66 : vector<512x512xbf16>
    %eq3A_68 = arith.cmpi eq, %select_n3A, %select_n3A_8 : i32
    %eq3A_69 = arith.constant 7 : i32
    %eq3A_70 = arith.cmpi eq, %select_n3A, %eq3A_69 : i32
    %or3A = arith.ori %eq3A_68, %eq3A_70 : i1
    %eq3A_71 = arith.constant 7 : i32
    %eq3A_72 = arith.cmpi eq, %select_n3A_8, %eq3A_71 : i32
    %or3A_73 = arith.ori %or3A, %eq3A_72 : i1
    %convert_element_type3A_74 = arith.extui %or3A_73 : i1 to i32
    %cond3A_75 = arith.constant 0 : i32
    %cond3A_76 = arith.cmpi ne, %convert_element_type3A_74, %cond3A_75 : i32
    scf.if %cond3A_76 {
      %mul3A = arith.constant 512 : i32
      %mul3A_81 = arith.muli %select_n3A, %mul3A : i32
      %iota3A = tpu.iota {dimensions = array<i32: 0>} : vector<512x1xi32>
      %add3A_82 = vector.broadcast %mul3A_81 : i32 to vector<512x1xi32>
      %add3A_83 = arith.addi %add3A_82, %iota3A : vector<512x1xi32>
      %mul3A_84 = arith.constant 512 : i32
      %mul3A_85 = arith.muli %select_n3A_8, %mul3A_84 : i32
      %iota3A_86 = tpu.iota {dimensions = array<i32: 1>} : vector<1x512xi32>
      %add3A_87 = vector.broadcast %mul3A_85 : i32 to vector<1x512xi32>
      %add3A_88 = arith.addi %add3A_87, %iota3A_86 : vector<1x512xi32>
      %gt3A = vector.broadcast %add3A_88 : vector<1x512xi32> to vector<512x512xi32>
      %gt3A_89 = vector.broadcast %add3A_83 : vector<512x1xi32> to vector<512x512xi32>
      %gt3A_90 = arith.cmpi sgt, %gt3A, %gt3A_89 : vector<512x512xi32>
      %lt3A_91 = arith.constant 4000 : i32
      %lt3A_92 = vector.broadcast %lt3A_91 : i32 to vector<1x512xi32>
      %lt3A_93 = arith.cmpi slt, %add3A_88, %lt3A_92 : vector<1x512xi32>
      %and3A_94 = vector.broadcast %lt3A_93 : vector<1x512xi1> to vector<512x512xi1>
      %and3A_95 = arith.andi %gt3A_90, %and3A_94 : vector<512x512xi1>
      %lt3A_96 = arith.constant 4000 : i32
      %lt3A_97 = vector.broadcast %lt3A_96 : i32 to vector<512x1xi32>
      %lt3A_98 = arith.cmpi slt, %add3A_83, %lt3A_97 : vector<512x1xi32>
      %and3A_99 = vector.broadcast %lt3A_98 : vector<512x1xi1> to vector<512x512xi1>
      %and3A_100 = arith.andi %and3A_95, %and3A_99 : vector<512x512xi1>
      %mul3A_101 = arith.mulf %sub3A_56, %sub3A_56 : vector<512x512xbf16>
      %mul3A_102 = arith.mulf %sub3A_67, %sub3A_67 : vector<512x512xbf16>
      %add3A_103 = arith.addf %mul3A_101, %mul3A_102 : vector<512x512xbf16>
      %add3A_104 = arith.constant 1.000560e-20 : bf16
      %add3A_105 = vector.broadcast %add3A_104 : bf16 to vector<512x512xbf16>
      %add3A_106 = arith.addf %add3A_103, %add3A_105 : vector<512x512xbf16>
      %jit3A = arith.constant 1.000000e+00 : bf16
      %broadcast_in_dim3A = vector.broadcast %jit3A : bf16 to vector<512x512xbf16>
      %select_n3A_107 = arith.select %and3A_100, %add3A_106, %broadcast_in_dim3A : vector<512x512xi1>, vector<512x512xbf16>
      %get3A_108 = arith.constant 0 : index
      %get3A_109 = arith.constant 0 : index
      %get3A_110 = vector.load %arg13[%get3A_108, %get3A_109] : memref<1x1xf32, #tpu.memory_space<vmem>>, vector<1x1xf32>
      %rsqrt3A = math.rsqrt %select_n3A_107 : vector<512x512xbf16>
      %mul3A_111 = arith.mulf %rsqrt3A, %rsqrt3A : vector<512x512xbf16>
      %mul3A_112 = arith.mulf %sub3A_45, %sub3A_56 : vector<512x512xbf16>
      %mul3A_113 = arith.mulf %sub3A_34, %sub3A_67 : vector<512x512xbf16>
      %sub3A_114 = arith.subf %mul3A_112, %mul3A_113 : vector<512x512xbf16>
      %mul3A_115 = arith.mulf %sub3A_114, %sub3A_114 : vector<512x512xbf16>
      %mul3A_116 = arith.mulf %mul3A_115, %mul3A_111 : vector<512x512xbf16>
      %sub3A_117 = vector.broadcast %convert_element_type3A_23 : bf16 to vector<512x512xbf16>
      %sub3A_118 = arith.subf %sub3A_117, %mul3A_116 : vector<512x512xbf16>
      %mul3A_119 = arith.mulf %sub3A_34, %sub3A_56 : vector<512x512xbf16>
      %mul3A_120 = arith.mulf %sub3A_45, %sub3A_67 : vector<512x512xbf16>
      %add3A_121 = arith.addf %mul3A_119, %mul3A_120 : vector<512x512xbf16>
      %mul3A_122 = vector.broadcast %convert_element_type3A_15 : bf16 to vector<512x512xbf16>
      %mul3A_123 = arith.mulf %select_n3A_107, %mul3A_122 : vector<512x512xbf16>
      %add3A_124 = arith.addf %mul3A_123, %add3A_121 : vector<512x512xbf16>
      %mul3A_125 = arith.mulf %add3A_124, %rsqrt3A : vector<512x512xbf16>
      %mul3A_126 = vector.broadcast %convert_element_type3A_19 : bf16 to vector<512x512xbf16>
      %mul3A_127 = arith.mulf %select_n3A_107, %mul3A_126 : vector<512x512xbf16>
      %add3A_128 = arith.addf %mul3A_127, %add3A_121 : vector<512x512xbf16>
      %mul3A_129 = arith.mulf %add3A_128, %rsqrt3A : vector<512x512xbf16>
      %exp3A = math.exp %sub3A_118 : vector<512x512xbf16>
      %erf3A = math.erf %mul3A_125 : vector<512x512xbf16>
      %erf3A_130 = math.erf %mul3A_129 : vector<512x512xbf16>
      %sub3A_131 = arith.subf %erf3A, %erf3A_130 : vector<512x512xbf16>
      %mul3A_132 = arith.mulf %exp3A, %sub3A_131 : vector<512x512xbf16>
      %mul3A_133 = arith.mulf %mul3A_132, %rsqrt3A : vector<512x512xbf16>
      %jit3A_134 = arith.constant 0.000000e+00 : bf16
      %broadcast_in_dim3A_135 = vector.broadcast %jit3A_134 : bf16 to vector<512x512xbf16>
      %select_n3A_136 = arith.select %and3A_100, %mul3A_133, %broadcast_in_dim3A_135 : vector<512x512xi1>, vector<512x512xbf16>
      %convert_element_type3A_137 = arith.extf %select_n3A_136 : vector<512x512xbf16> to vector<512x512xf32>
      %reduce_sum3A = vector.shape_cast %convert_element_type3A_137 : vector<512x512xf32> to vector<1x512x512xf32>
      %reduce_sum3A_138 = arith.constant dense<0.000000e+00> : vector<1xf32>
      %reduce_sum3A_139 = vector.multi_reduction <add>, %reduce_sum3A, %reduce_sum3A_138 [1, 2] : vector<1x512x512xf32> to vector<1xf32>
      %reduce_sum3A_140 = vector.shape_cast %reduce_sum3A_139 : vector<1xf32> to vector<1x1x1xf32>
      %reduce_sum3A_141 = vector.extract %reduce_sum3A_140[0, 0, 0] : f32 from vector<1x1x1xf32>
      %mul3A_142 = arith.constant -0.886226952 : f32
      %mul3A_143 = arith.mulf %mul3A_142, %reduce_sum3A_141 : f32
      %reshape3A = vector.broadcast %mul3A_143 : f32 to vector<1x1xf32>
      %add3A_144 = arith.addf %get3A_110, %reshape3A : vector<1x1xf32>
      %swap3A = arith.constant 0 : index
      %swap3A_145 = arith.constant 0 : index
      %swap3A_146 = vector.load %arg13[%swap3A, %swap3A_145] : memref<1x1xf32, #tpu.memory_space<vmem>>, vector<1x1xf32>
      tpu.vector_store %arg13[%swap3A, %swap3A_145], %add3A_144 {strides = array<i32>} : memref<1x1xf32, #tpu.memory_space<vmem>>, vector<1x1xf32>,
    } else {
    }
    %not3A = arith.constant true
    %not3A_77 = arith.xori %or3A_73, %not3A : i1
    %convert_element_type3A_78 = arith.extui %not3A_77 : i1 to i32
    %cond3A_79 = arith.constant 0 : i32
    %cond3A_80 = arith.cmpi ne, %convert_element_type3A_78, %cond3A_79 : i32
    scf.if %cond3A_80 {
      %mul3A = arith.mulf %sub3A_56, %sub3A_56 : vector<512x512xbf16>
      %mul3A_81 = arith.mulf %sub3A_67, %sub3A_67 : vector<512x512xbf16>
      %add3A_82 = arith.addf %mul3A, %mul3A_81 : vector<512x512xbf16>
      %add3A_83 = arith.constant 1.000560e-20 : bf16
      %add3A_84 = vector.broadcast %add3A_83 : bf16 to vector<512x512xbf16>
      %add3A_85 = arith.addf %add3A_82, %add3A_84 : vector<512x512xbf16>
      %get3A_86 = arith.constant 0 : index
      %get3A_87 = arith.constant 0 : index
      %get3A_88 = vector.load %arg13[%get3A_86, %get3A_87] : memref<1x1xf32, #tpu.memory_space<vmem>>, vector<1x1xf32>
      %rsqrt3A = math.rsqrt %add3A_85 : vector<512x512xbf16>
      %mul3A_89 = arith.mulf %rsqrt3A, %rsqrt3A : vector<512x512xbf16>
      %mul3A_90 = arith.mulf %sub3A_45, %sub3A_56 : vector<512x512xbf16>
      %mul3A_91 = arith.mulf %sub3A_34, %sub3A_67 : vector<512x512xbf16>
      %sub3A_92 = arith.subf %mul3A_90, %mul3A_91 : vector<512x512xbf16>
      %mul3A_93 = arith.mulf %sub3A_92, %sub3A_92 : vector<512x512xbf16>
      %mul3A_94 = arith.mulf %mul3A_93, %mul3A_89 : vector<512x512xbf16>
      %sub3A_95 = vector.broadcast %convert_element_type3A_23 : bf16 to vector<512x512xbf16>
      %sub3A_96 = arith.subf %sub3A_95, %mul3A_94 : vector<512x512xbf16>
      %mul3A_97 = arith.mulf %sub3A_34, %sub3A_56 : vector<512x512xbf16>
      %mul3A_98 = arith.mulf %sub3A_45, %sub3A_67 : vector<512x512xbf16>
      %add3A_99 = arith.addf %mul3A_97, %mul3A_98 : vector<512x512xbf16>
      %mul3A_100 = vector.broadcast %convert_element_type3A_15 : bf16 to vector<512x512xbf16>
      %mul3A_101 = arith.mulf %add3A_85, %mul3A_100 : vector<512x512xbf16>
      %add3A_102 = arith.addf %mul3A_101, %add3A_99 : vector<512x512xbf16>
      %mul3A_103 = arith.mulf %add3A_102, %rsqrt3A : vector<512x512xbf16>
      %mul3A_104 = vector.broadcast %convert_element_type3A_19 : bf16 to vector<512x512xbf16>
      %mul3A_105 = arith.mulf %add3A_85, %mul3A_104 : vector<512x512xbf16>
      %add3A_106 = arith.addf %mul3A_105, %add3A_99 : vector<512x512xbf16>
      %mul3A_107 = arith.mulf %add3A_106, %rsqrt3A : vector<512x512xbf16>
      %exp3A = math.exp %sub3A_96 : vector<512x512xbf16>
      %erf3A = math.erf %mul3A_103 : vector<512x512xbf16>
      %erf3A_108 = math.erf %mul3A_107 : vector<512x512xbf16>
      %sub3A_109 = arith.subf %erf3A, %erf3A_108 : vector<512x512xbf16>
      %mul3A_110 = arith.mulf %exp3A, %sub3A_109 : vector<512x512xbf16>
      %mul3A_111 = arith.mulf %mul3A_110, %rsqrt3A : vector<512x512xbf16>
      %convert_element_type3A_112 = arith.extf %mul3A_111 : vector<512x512xbf16> to vector<512x512xf32>
      %reduce_sum3A = vector.shape_cast %convert_element_type3A_112 : vector<512x512xf32> to vector<1x512x512xf32>
      %reduce_sum3A_113 = arith.constant dense<0.000000e+00> : vector<1xf32>
      %reduce_sum3A_114 = vector.multi_reduction <add>, %reduce_sum3A, %reduce_sum3A_113 [1, 2] : vector<1x512x512xf32> to vector<1xf32>
      %reduce_sum3A_115 = vector.shape_cast %reduce_sum3A_114 : vector<1xf32> to vector<1x1x1xf32>
      %reduce_sum3A_116 = vector.extract %reduce_sum3A_115[0, 0, 0] : f32 from vector<1x1x1xf32>
      %mul3A_117 = arith.constant -0.886226952 : f32
      %mul3A_118 = arith.mulf %mul3A_117, %reduce_sum3A_116 : f32
      %reshape3A = vector.broadcast %mul3A_118 : f32 to vector<1x1xf32>
      %add3A_119 = arith.addf %get3A_88, %reshape3A : vector<1x1xf32>
      %swap3A = arith.constant 0 : index
      %swap3A_120 = arith.constant 0 : index
      %swap3A_121 = vector.load %arg13[%swap3A, %swap3A_120] : memref<1x1xf32, #tpu.memory_space<vmem>>, vector<1x1xf32>
      tpu.vector_store %arg13[%swap3A, %swap3A_120], %add3A_119 {strides = array<i32>} : memref<1x1xf32, #tpu.memory_space<vmem>>, vector<1x1xf32>,
    } else {
    }
    return
  }
  func.func @transform_0(%arg0: i32, %arg1: i32) -> (i32, i32) {
    %c0_i32 = arith.constant 0 : i32
    %c0_i32_0 = arith.constant 0 : i32
    %c0_i32_1 = arith.constant 0 : i32
    return %c0_i32, %c0_i32_0 : i32, i32
  }
  func.func @transform_1(%arg0: i32, %arg1: i32) -> (i32, i32) {
    %c0_i32 = arith.constant 0 : i32
    %c0_i32_0 = arith.constant 0 : i32
    %c0_i32_1 = arith.constant 0 : i32
    return %c0_i32, %c0_i32_0 : i32, i32
  }
  func.func @transform_2(%arg0: i32, %arg1: i32) -> (i32, i32) {
    %c0_i32 = arith.constant 0 : i32
    %c0_i32_0 = arith.constant 0 : i32
    %c0_i32_1 = arith.constant 0 : i32
    return %c0_i32, %c0_i32_0 : i32, i32
  }
  func.func @transform_3(%arg0: i32, %arg1: i32) -> (i32, i32) {
    %sub3A = arith.constant 8 : i32
    %sub3A_0 = arith.subi %sub3A, %arg0 : i32
    %lt3A = arith.cmpi slt, %arg1, %sub3A_0 : i32
    %sub3A_1 = arith.constant 7 : i32
    %sub3A_2 = arith.subi %sub3A_1, %arg0 : i32
    %select_n3A = arith.select %lt3A, %arg0, %sub3A_2 : i32
    %c0_i32 = arith.constant 0 : i32
    %c0_i32_3 = arith.constant 0 : i32
    return %select_n3A, %c0_i32 : i32, i32
  }
  func.func @transform_4(%arg0: i32, %arg1: i32) -> (i32, i32) {
    %sub3A = arith.constant 8 : i32
    %sub3A_0 = arith.subi %sub3A, %arg0 : i32
    %lt3A = arith.cmpi slt, %arg1, %sub3A_0 : i32
    %sub3A_1 = arith.constant 7 : i32
    %sub3A_2 = arith.subi %sub3A_1, %arg0 : i32
    %select_n3A = arith.select %lt3A, %arg0, %sub3A_2 : i32
    %c0_i32 = arith.constant 0 : i32
    %c0_i32_3 = arith.constant 0 : i32
    return %select_n3A, %c0_i32 : i32, i32
  }
  func.func @transform_5(%arg0: i32, %arg1: i32) -> (i32, i32) {
    %sub3A = arith.constant 8 : i32
    %sub3A_0 = arith.subi %sub3A, %arg0 : i32
    %lt3A = arith.cmpi slt, %arg1, %sub3A_0 : i32
    %sub3A_1 = arith.constant 7 : i32
    %sub3A_2 = arith.subi %sub3A_1, %arg0 : i32
    %select_n3A = arith.select %lt3A, %arg0, %sub3A_2 : i32
    %c0_i32 = arith.constant 0 : i32
    %c0_i32_3 = arith.constant 0 : i32
    return %select_n3A, %c0_i32 : i32, i32
  }
  func.func @transform_6(%arg0: i32, %arg1: i32) -> (i32, i32) {
    %sub3A = arith.constant 8 : i32
    %sub3A_0 = arith.subi %sub3A, %arg0 : i32
    %lt3A = arith.cmpi slt, %arg1, %sub3A_0 : i32
    %sub3A_1 = arith.constant 7 : i32
    %sub3A_2 = arith.subi %sub3A_1, %arg0 : i32
    %select_n3A = arith.select %lt3A, %arg0, %sub3A_2 : i32
    %c0_i32 = arith.constant 0 : i32
    %c0_i32_3 = arith.constant 0 : i32
    return %select_n3A, %c0_i32 : i32, i32
  }
  func.func @transform_7(%arg0: i32, %arg1: i32) -> (i32, i32) {
    %sub3A = arith.constant 8 : i32
    %sub3A_0 = arith.subi %sub3A, %arg0 : i32
    %lt3A = arith.cmpi slt, %arg1, %sub3A_0 : i32
    %add3A = arith.addi %arg0, %arg1 : i32
    %sub3A_1 = arith.constant 1 : i32
    %sub3A_2 = arith.subi %arg1, %sub3A_1 : i32
    %select_n3A = arith.select %lt3A, %add3A, %sub3A_2 : i32
    %c0_i32 = arith.constant 0 : i32
    %c0_i32_3 = arith.constant 0 : i32
    return %c0_i32, %select_n3A : i32, i32
  }
  func.func @transform_8(%arg0: i32, %arg1: i32) -> (i32, i32) {
    %sub3A = arith.constant 8 : i32
    %sub3A_0 = arith.subi %sub3A, %arg0 : i32
    %lt3A = arith.cmpi slt, %arg1, %sub3A_0 : i32
    %add3A = arith.addi %arg0, %arg1 : i32
    %sub3A_1 = arith.constant 1 : i32
    %sub3A_2 = arith.subi %arg1, %sub3A_1 : i32
    %select_n3A = arith.select %lt3A, %add3A, %sub3A_2 : i32
    %c0_i32 = arith.constant 0 : i32
    %c0_i32_3 = arith.constant 0 : i32
    return %c0_i32, %select_n3A : i32, i32
  }
  func.func @transform_9(%arg0: i32, %arg1: i32) -> (i32, i32) {
    %sub3A = arith.constant 8 : i32
    %sub3A_0 = arith.subi %sub3A, %arg0 : i32
    %lt3A = arith.cmpi slt, %arg1, %sub3A_0 : i32
    %add3A = arith.addi %arg0, %arg1 : i32
    %sub3A_1 = arith.constant 1 : i32
    %sub3A_2 = arith.subi %arg1, %sub3A_1 : i32
    %select_n3A = arith.select %lt3A, %add3A, %sub3A_2 : i32
    %c0_i32 = arith.constant 0 : i32
    %c0_i32_3 = arith.constant 0 : i32
    return %c0_i32, %select_n3A : i32, i32
  }
  func.func @transform_10(%arg0: i32, %arg1: i32) -> (i32, i32) {
    %sub3A = arith.constant 8 : i32
    %sub3A_0 = arith.subi %sub3A, %arg0 : i32
    %lt3A = arith.cmpi slt, %arg1, %sub3A_0 : i32
    %add3A = arith.addi %arg0, %arg1 : i32
    %sub3A_1 = arith.constant 1 : i32
    %sub3A_2 = arith.subi %arg1, %sub3A_1 : i32
    %select_n3A = arith.select %lt3A, %add3A, %sub3A_2 : i32
    %c0_i32 = arith.constant 0 : i32
    %c0_i32_3 = arith.constant 0 : i32
    return %c0_i32, %select_n3A : i32, i32
  }
  func.func @transform_11(%arg0: i32, %arg1: i32) -> (i32, i32) {
    %c0_i32 = arith.constant 0 : i32
    %c0_i32_0 = arith.constant 0 : i32
    %c0_i32_1 = arith.constant 0 : i32
    return %c0_i32, %c0_i32_0 : i32, i32
  }
}

</mosaic_0001>

<sc_bundles>
// kernel: kernel.4.cloned.1.call-start
scs
__scs_entry_jumppad:
0x0: {  	(pc) =	sbr.rel $0x88, $3  }
0x1: {  	(tag) =	ssettag $0x0;
	lr =	simm.s32 $0x1  }
0x2: {  	[smem:$0x3F9B] =	sst lr;
	_ =	strace $0xD0000000  }
0x3: {  	_ = 	snop  }
0x4: {  	_ = 	snop  }
0x5: {  	_ = 	snop  }
0x6: {  	_ = 	snop  }
0x7: {  	_ = 	snop  }
__scs_overlays_trampoline_lowered:
0x8: {  	[smem:$0x3FAA] =	sst s0  }
0x9: {  	[smem:$0x3FAB] =	sst s1  }
0xa: {  	[smem:$0x3FAC] =	sst s2  }
0xb: {  	[smem:$0x3FAD] =	sst s3  }
0xc: {  	[smem:$0x3FAE] =	sst s4  }
0xd: {  	[smem:$0x3FAF] =	sst s5  }
0xe: {  	[smem:$0x3FB0] =	sst s6  }
0xf: {  	[smem:$0x3FB1] =	sst s7  }
0x10: {  	[smem:$0x3FB2] =	sst s8  }
0x11: {  	[smem:$0x3FB3] =	sst s9;
	s0 =	simm.s32 @!p0 $0x0  }
0x12: {  	s1 =	sld [smem:$0x3F99];
	s0 =	simm.s32 @p0 $0x1  }
0x13: {  	[smem:$0x3FB4] =	sst s0;
	s0 =	simm.s32 @!p1 $0x0  }
0x14: {  	s2 =	sld [smem:$0x3F98];
	s0 =	simm.s32 @p1 $0x1  }
0x15: {  	[smem:$0x3FB5] =	sst s0;
	s0 =	simm.s32 @!p2 $0x0  }
0x16: {  	s3 =	sld [smem:$0x3FDB];
	s0 =	simm.s32 @p2 $0x1  }
0x17: {  	s4 =	simm.s32 $0x1BF5;
	[smem:$0x3FB7] =	sst s0  }
0x18: {  	s0 =	sld [smem:$0x3F9A];
	_ =	swait.ge [sflag:s4], $0x0  }
0x19: {  	s7 =	sld [smem:$0x3F9B]  }
0x1a: {  	s8 =	sadd.s32 $0xFFFFE003, lr  }
0x1b: {  	s9 =	sadd.s32 $0xFFFFFEF7, lr;
	s5 =	simm.s32 $0xFFFFFFFF;
	p2 =	slt.u32 s8, $0xFFFFF086  }
0x1c: {  	p1 =	slt.u32 s9, $0xF7A;
	s5 =	simm.s32 @!p2 $0x0  }
0x1d: {  	s5 =	simm.s32 @p1 $0x1;
	p0 =	seq.s32 s7, s2  }
0x1e: {  	s7 =	smul.u32 @!p0 $0xF7A, s2;
	p2 =	seq.s32 @!p0 s5, $0x0  }
0x1f: {  	s9 =	smul.u32 $0xF7A, s1;
	s8 =	simm.s32 @!p0 $0x1BF5;
	p2 =	por !p2, p0  }
0x20: {  	[sflag:s8] =	ssyncset.s32 @!p0 $0xFFFFF086;
	s6 =	sadd.s32 @!p0 s3, s7;
	s7 =	simm.s32 @!p0 $0x108  }
0x21: {  	s3 =	sadd.s32 s3, s9;
	s6 =	sadd.s32 @!p0 $0x88, s6;
	s7 =	simm.s32 @p2 $0x1082  }
0x22: {  	[simem:s7], [sflag:s8] =	dma.local @!p0 [hbm:s6], $0xF7A  }
0x23: {  	s9 =	sor.u32 $0xD0000000, s2;
	s6 =	simm.s32 $0x108;
	_ =	swait.ge @!p0 [sflag:s8], $0x0  }
0x24: {  	s3 =	sadd.s32 $0x88, s3;
	s6 =	simm.s32 @!p1 $0x1082;
	[sflag:s4] =	ssyncset.s32 $0xFFFFF086  }
0x25: {  	[simem:s6], [sflag:s4] =	dma.local [hbm:s3], $0xF7A  }
0x26: {  	[smem:$0x3F9B] =	sst s1;
	(tag) =	ssettag s2;
	_ =	strace s9  }
0x27: {  	s1 =	sld [smem:$0x3FAB]  }
0x28: {  	s2 =	sld [smem:$0x3FAC]  }
0x29: {  	s4 =	sld [smem:$0x3FAE]  }
0x2a: {  	p0 =	seq.s32 s5, $0x0;
	s5 =	sld [smem:$0x3FAF]  }
0x2b: {  	s6 =	sld [smem:$0x3FB0]  }
0x2c: {  	s7 =	sld [smem:$0x3FB1]  }
0x2d: {  	s3 =	simm.s32 $0x108;
	s8 =	sld [smem:$0x3FB2]  }
0x2e: {  	s3 =	simm.s32 @!p0 $0x1082;
	s9 =	sld [smem:$0x3FB3]  }
0x2f: {  	lr =	sadd.s32 s0, s3;
	s0 =	sld [smem:$0x3FAA]  }
0x30: {  	s3 =	sld [smem:$0x3FAD]  }
0x31: {  	[smem:$0x3FB6] =	sst s10  }
0x32: {  	s10 =	sld [smem:$0x3FB4];
	_ =	sdelay $0x3  }
0x33: {  	p0 =	seq.s32 s10, $0x1;
	s10 =	sld [smem:$0x3FB6];
	_ =	sdelay $0x3  }
0x34: {  	[smem:$0x3FB6] =	sst s10  }
0x35: {  	s10 =	sld [smem:$0x3FB5];
	_ =	sdelay $0x3  }
0x36: {  	p1 =	seq.s32 s10, $0x1;
	s10 =	sld [smem:$0x3FB6];
	_ =	sdelay $0x3  }
0x37: {  	[smem:$0x3FB6] =	sst s10  }
0x38: {  	s10 =	sld [smem:$0x3FB7]  }
0x39: {  	_ = 	snop;
	(pc) =	sbr.ind lr, $3  }
0x3a: {  	_ = 	snop  }
0x3b: {  	_ = 	snop  }
0x3c: {  	p2 =	seq.s32 s10, $0x1;
	s10 =	sld [smem:$0x3FB6]  }
0x3d: {  	_ =	shalt  }
0x3e: {  	_ =	shalt  }
0x3f: {  	_ =	shalt  }
0x40: {  	_ =	shalt  }
0x41: {  	_ =	shalt  }
0x42: {  	_ =	shalt  }
0x43: {  	_ =	shalt  }
0x44: {  	_ =	shalt  }
0x45: {  	_ =	shalt  }
0x46: {  	_ =	shalt  }
0x47: {  	_ =	shalt  }
0x48: {  	_ =	shalt  }
0x49: {  	_ =	shalt  }
0x4a: {  	_ =	shalt  }
0x4b: {  	_ =	shalt  }
0x4c: {  	_ =	shalt  }
0x4d: {  	_ =	shalt  }
0x4e: {  	_ =	shalt  }
0x4f: {  	_ =	shalt  }
0x50: {  	_ =	shalt  }
0x51: {  	_ =	shalt  }
0x52: {  	_ =	shalt  }
0x53: {  	_ =	shalt  }
0x54: {  	_ =	shalt  }
0x55: {  	_ =	shalt  }
0x56: {  	_ =	shalt  }
0x57: {  	_ =	shalt  }
0x58: {  	_ =	shalt  }
0x59: {  	_ =	shalt  }
0x5a: {  	_ =	shalt  }
0x5b: {  	_ =	shalt  }
0x5c: {  	_ =	shalt  }
0x5d: {  	_ =	shalt  }
0x5e: {  	_ =	shalt  }
0x5f: {  	_ =	shalt  }
0x60: {  	_ =	shalt  }
0x61: {  	_ =	shalt  }
0x62: {  	_ =	shalt  }
0x63: {  	_ =	shalt  }
0x64: {  	_ =	shalt  }
0x65: {  	_ =	shalt  }
0x66: {  	_ =	shalt  }
0x67: {  	_ =	shalt  }
0x68: {  	_ =	shalt  }
0x69: {  	_ =	shalt  }
0x6a: {  	_ =	shalt  }
0x6b: {  	_ =	shalt  }
0x6c: {  	_ =	shalt  }
0x6d: {  	_ =	shalt  }
0x6e: {  	_ =	shalt  }
0x6f: {  	_ =	shalt  }
0x70: {  	_ =	shalt  }
0x71: {  	_ =	shalt  }
0x72: {  	_ =	shalt  }
0x73: {  	_ =	shalt  }
0x74: {  	_ =	shalt  }
0x75: {  	_ =	shalt  }
0x76: {  	_ =	shalt  }
0x77: {  	_ =	shalt  }
0x78: {  	_ =	shalt  }
0x79: {  	_ =	shalt  }
0x7a: {  	_ =	shalt  }
0x7b: {  	_ =	shalt  }
0x7c: {  	_ =	shalt  }
0x7d: {  	_ =	shalt  }
0x7e: {  	_ =	shalt  }
0x7f: {  	_ =	shalt  }
0x80: {  	_ =	shalt  }
0x81: {  	_ =	shalt  }
0x82: {  	_ =	shalt  }
0x83: {  	_ =	shalt  }
0x84: {  	_ =	shalt  }
0x85: {  	_ =	shalt  }
0x86: {  	_ =	shalt  }
0x87: {  	_ =	shalt  }
.Lfunc_end0:
.L_simem_size_0:
called_computation_lowered:
.L_overlay_start_0:
0x88: {  	s2 =	sld [smem:$0x3FD9]  }
0x89: {  	s3 =	sld [smem:$0x3FFE];
	_ =	sdelay $0x1  }
0x8a: {  	s1 =	srdreg.scid  }
0x8b: {  	s0 =	sand.u32 $0x1, s1  }
0x8c: {  	s16 =	sshll.u32 s0, $0xA;
	s2 =	sadd.s32 s3, s2  }
0x8d: {  	s2 =	sadd.s32 s2, s16  }
0x8e: {  	[smem:$0x3FC2] =	sst s2  }
0x8f: {  	_ = 	snop  }
0x90: {  	(tm) =	ssettm $0x1  }
0x91: {  	s17 =	sld [smem:$0x3FFB];
	_ =	sdelay $0x3  }
0x92: {  	_ =	strace s17  }
0x93: {  	s2 =	sld [smem:$0x3FFC];
	_ =	sdelay $0x3  }
0x94: {  	_ =	strace s2  }
0x95: {  	s2 =	sld [smem:$0x3FFD];
	_ =	sdelay $0x3  }
0x96: {  	_ =	strace s2  }
0x97: {  	_ =	strace $0x8FFFFFFF  }
0x98: {  	s18 =	sld [smem:$0x3FDB];
	_ =	sdelay $0x1  }
0x99: {  	s19 =	simm.s32 $_scs_section_size  }
0x9a: {  	s4 =	simm.s32 $_size__tile_overlayer_lowered;
	s5 =	simm.s32 $_tile_overlayer_lowered  }
0x9b: {  	s22 =	simm.s32 $0x1BFF;
	s21 =	sshll.u32 s5, $0x1;
	s2 =	sadd.s32 s19, s18  }
0x9c: {  	s6 =	simm.s32 $0x0;
	s20 =	sshll.u32 s4, $0x1;
	s4 =	sadd.s32 s21, s2  }
0x9d: {  	[timem:s6], [sflag:s22] =	dma.local [hbm:s4], s20  }
0x9e: {  	_ =	swait.ge [sflag:s22], s20  }
0x9f: {  	s3 =	ssub.s32 $0x0, s20;
	[sflag:s22] =	ssyncset.done $0x0  }
0xa0: {  	[sflag:s22] =	ssyncadd.s32 s3;
	_ =	sdelay $0x1  }
0xa1: {  	s23 =	simm.s32 $0x1B8B  }
0xa2: {  	_ =	swait.ge [sflag:s23], $0x1  }
0xa3: {  	[sflag:s23] =	ssyncset.done $0x0  }
0xa4: {  	s25 =	simm.s32 $0x1B8E;
	s24 =	sld [smem:$0x3FFE];
	[sflag:s23] =	ssyncadd.s32 $0xFFFFFFFF  }
0xa5: {  	s26 =	simm.s32 $execute0_lowered;
	[smem:$0x3FD2] =	sst s25  }
0xa6: {  	s4 =	sshll.u32 s26, $0x1;
	_ =	strace $0x80000046;
	[dreg:$0x1] =	wrdreg $0xFFFFFFFF  }
0xa7: {  	s28 =	simm.s32 $_size_execute0_lowered;
	s2 =	sadd.s32 s2, s4;
	[dreg:$0x0] =	wrdreg $0x0  }
0xa8: {  	s4 =	sshll.u32 s28, $0x1;
	[dreg:$0x2] =	wrdreg s2  }
0xa9: {  	[dreg:$0x3] =	wrdreg s4  }
0xaa: {  	[dreg:$0x4] =	wrdreg $0xC0  }
0xab: {  	_ =	task [dreg:s6], $0x5FFFF  }
0xac: {  	[dreg:$0x1] =	wrdreg $0xFFFFFFFF  }
0xad: {  	[dreg:$0x0] =	wrdreg $0x60  }
0xae: {  	[dreg:$0x2] =	wrdreg s24  }
0xaf: {  	[dreg:$0x3] =	wrdreg $0x9  }
0xb0: {  	_ =	task.clear_ibuf [dreg:s6], $0x4FFFF;
	_ =	strace $0x90000046  }
0xb1: {  	s29 =	simm.s32 $0x9;
	_ =	strace $0x80000048  }
0xb2: {  	_ =	swait.ge [sflag:s29], $0x1  }
0xb3: {  	[sflag:s29] =	ssyncadd.s32 $0xFFFFFFFF  }
0xb4: {  	_ =	strace $0x90000048  }
0xb5: {  	_ =	sfence  }
0xb6: {  	s30 =	sld [smem:$0x0];
	_ =	sdelay $0x2  }
0xb7: {  	s31 =	sshll.u32 s1, $0xD;
	s1 =	sshrl.u32 s1, $0x2  }
0xb8: {  	s3 =	sand.u32 $0x4000, s31;
	s1 =	sadd.s32 s1, s30  }
0xb9: {  	s0 =	sor.u32 s3, s0;
	s1 =	sshll.u32 s1, $0x11  }
0xba: {  	s0 =	sor.u32 s1, s0  }
0xbb: {  	s0 =	sadd.s32 $0x8F2B, s0  }
0xbc: {  	[sflag:s0] =	ssyncadd.remote.s32 $0x1  }
0xbd: {  	_ =	sfence.sel $0xFFFF  }
0xbe: {  	[dreg:$0x0] =	wrdreg $0xFFFFFFFF;
	(pc) =	sbr.abs _section_cstart, $3  }
0xbf: {  	[dreg:$0x1] =	wrdreg $0xFFFFFFFF  }
0xc0: {  	_ =	task.clear_ibuf [dreg:s6], $0x2FFFF;
	_ =	strace $0x9FFFFFFF  }
0xc1: {  	(tm) =	ssettm $0x7FFFFFFF  }
tec
execute0_lowered:
.L_overlay_start_1:
0x0: {  	(tag) =	ssettag $0x1  }
0x1: {  	s8 =	rddreg [dreg:$0x0]  }
0x2: {  	s0 =	rddreg [dreg:$0x1]  }
0x3: {  	s2 =	simm.s32 $0x0;
	s3 =	srdreg.scid;
	s1 =	stileid.u32  }
0x4: {  	s13 =	simm.s32 $0x1;
	s14 =	simm.s32 $0x3100;
	s15 =	simm.s32 $0x6200  }
0x5: {  	s16 =	simm.s32 $0x9300;
	s17 =	simm.s32 $0xA300;
	s18 =	simm.s32 $0xB300  }
0x6: {  	s19 =	simm.s32 $0xC300;
	s20 =	simm.s32 $0xD300;
	s21 =	simm.s32 $0x0  }
0x7: {  	[smem:$0x7FF] =	sst s2;
	s7 =	sand.u32 $0x1, s3;
	s4 =	sshll.u32 s1, $0x1  }
0x8: {  	s3 =	sadd.s32 $0x24E00, s8;
	s5 =	sadd.s32 $0x25200, s8;
	s6 =	sadd.s32 $0x25000, s8  }
0x9: {  	_ =	strace $0x80000047;
	s9 =	sor.u32 s7, s4;
	s4 =	sadd.s32 $0x24C00, s8  }
0xa: {  	s31 =	ssub.s32 $0x2, s7;
	s7 =	simm.s32 $0x18;
	s10 =	smul.u32 $0x61C, s9  }
0xb: {  	s11 =	sshll.u32 s9, $0x4;
	p0 =	seq.s32 s9, $0x1F;
	s12 =	sshrl.u32 s31, $0x1  }
0xc: {  	s11 =	sadd.s32 s11, s8;
	s12 =	ssub.s32 s31, s12;
	s10 =	simm.s32 @p0 $0xBD34  }
0xd: {  	s7 =	simm.s32 @!p0 $0x0;
	s11 =	sadd.s32 $0x25400, s11;
	s8 =	sadd.s32 s8, s10  }
0xe: {  	s12 =	smax.u32 s12, $0x1;
	s9 =	sadd.s32 $0x18800, s8;
	s10 =	sadd.s32 $0xC400, s8  }
.LBB2_1:
0xf: {  	[tilespmem:s2], [sflag:$0x1] =	stream.linear.gather [hbm4b:s9+s2], $0x30E0, $0x38;
	[tilespmem:$0xD380] =	vst v63  }
0x10: {  	_ =	swait.ge [sflag:s13], $0x30E0  }
0x11: {  	[sflag:s13] =	ssyncset.done $0x0  }
0x12: {  	[sflag:s13] =	ssyncadd.s32 $0xFFFFCF20  }
0x13: {  	[tilespmem:s14], [sflag:$0x1] =	stream.linear.gather [hbm4b:s10+s2], $0x30E0, $0x38;
	[tilespmem:$0xD380] =	vst v63  }
0x14: {  	_ =	swait.ge [sflag:s13], $0x30E0  }
0x15: {  	[sflag:s13] =	ssyncset.done $0x0  }
0x16: {  	[sflag:s13] =	ssyncadd.s32 $0xFFFFCF20  }
0x17: {  	[tilespmem:s15], [sflag:$0x1] =	stream.linear.gather [hbm4b:s8+s2], $0x30E0, $0x38;
	[tilespmem:$0xD380] =	vst v63  }
0x18: {  	_ =	swait.ge [sflag:s13], $0x30E0  }
0x19: {  	[sflag:s13] =	ssyncset.done $0x0  }
0x1a: {  	[sflag:s13] =	ssyncadd.s32 $0xFFFFCF20  }
0x1b: {  	[tilespmem:s16], [sflag:$0x1] =	stream.linear.gather [hbm4b:s3+s2], $0x1000, $0x38;
	[tilespmem:$0xD380] =	vst v63  }
0x1c: {  	_ =	swait.ge [sflag:s13], $0x1000  }
0x1d: {  	[sflag:s13] =	ssyncset.done $0x0  }
0x1e: {  	[sflag:s13] =	ssyncadd.s32 $0xFFFFF000  }
0x1f: {  	[tilespmem:s17], [sflag:$0x1] =	stream.linear.gather [hbm4b:s4+s2], $0x1000, $0x38;
	[tilespmem:$0xD380] =	vst v63  }
0x20: {  	_ =	swait.ge [sflag:s13], $0x1000  }
0x21: {  	[sflag:s13] =	ssyncset.done $0x0  }
0x22: {  	[sflag:s13] =	ssyncadd.s32 $0xFFFFF000  }
0x23: {  	[tilespmem:s18], [sflag:$0x1] =	stream.linear.gather [hbm4b:s5+s2], $0x1000, $0x38;
	[tilespmem:$0xD380] =	vst v63  }
0x24: {  	_ =	swait.ge [sflag:s13], $0x1000  }
0x25: {  	[sflag:s13] =	ssyncset.done $0x0  }
0x26: {  	[sflag:s13] =	ssyncadd.s32 $0xFFFFF000  }
0x27: {  	[tilespmem:s19], [sflag:$0x1] =	stream.linear.gather [hbm4b:s6+s2], $0x1000, $0x38;
	[tilespmem:$0xD380] =	vst v63  }
0x28: {  	_ =	swait.ge [sflag:s13], $0x1000  }
0x29: {  	[sflag:s13] =	ssyncset.done $0x0  }
0x2a: {  	s23 =	simm.s32 $0x6240;
	[sflag:s13] =	ssyncadd.s32 $0xFFFFF000  }
0x2b: {  	v0 =	vld [tilespmem:s23+$0x30]  }
0x2c: {  	v63 =	vld [tilespmem:s23+$0x20]  }
0x2d: {  	v4 =	vld [tilespmem:s23+$0x10]  }
0x2e: {  	v5 =	vld [tilespmem:s23+$0x0]  }
0x2f: {  	s24 =	simm.s32 $0x40;
	v6 =	vld [tilespmem:s23+$0xFFFFFFF0]  }
0x30: {  	s25 =	simm.s32 $0x3140;
	v8 =	vld [tilespmem:s24+$0x30]  }
0x31: {  	v9 =	vld [tilespmem:s25+$0x30]  }
0x32: {  	v7 =	vld [tilespmem:s23+$0xFFFFFFE0]  }
0x33: {  	v10 =	vld [tilespmem:s24+$0x20]  }
0x34: {  	v15 =	vld [tilespmem:s25+$0x20]  }
0x35: {  	v32 =	vld [tilespmem:s23+$0xFFFFFFD0]  }
0x36: {  	v16 =	vld [tilespmem:s24+$0x10]  }
0x37: {  	v17 =	vld [tilespmem:s25+$0x10]  }
0x38: {  	v33 =	vld [tilespmem:s23+$0xFFFFFFC0]  }
0x39: {  	v25 =	vld [tilespmem:s24+$0x0]  }
0x3a: {  	v28 =	vld [tilespmem:s25+$0x0]  }
0x3b: {  	v31 =	vld [tilespmem:s24+$0xFFFFFFF0]  }
0x3c: {  	v34 =	vld [tilespmem:s25+$0xFFFFFFF0]  }
0x3d: {  	v37 =	vld [tilespmem:s24+$0xFFFFFFE0]  }
0x3e: {  	v44 =	vld [tilespmem:s25+$0xFFFFFFE0]  }
0x3f: {  	v14 =	vld [tilespmem:s24+$0xFFFFFFD0]  }
0x40: {  	v11 =	vld [tilespmem:s25+$0xFFFFFFD0]  }
0x41: {  	v13 =	vld [tilespmem:s24+$0xFFFFFFC0]  }
0x42: {  	v12 =	vld [tilespmem:s25+$0xFFFFFFC0]  }
0x43: {  	v54 =	vld.idx.msk [tilespmem:v8+s16+$0x0], $0xffff  }
0x44: {  	[tilespmem:$0x1FF50] =	vst v0;
	v0 =	vld.idx.msk [tilespmem:v8+s17+$0x0], $0xffff  }
0x45: {  	v62 =	vld.idx.msk [tilespmem:v9+s16+$0x0], $0xffff  }
0x46: {  	v2 =	vld.idx.msk [tilespmem:v9+s17+$0x0], $0xffff  }
0x47: {  	[tilespmem:$0x1FF80] =	vst v5;
	v5 =	vld.idx.msk [tilespmem:v10+s16+$0x0], $0xffff  }
0x48: {  	v3 =	vld.idx.msk [tilespmem:v10+s17+$0x0], $0xffff  }
0x49: {  	v60 =	vld.idx.msk [tilespmem:v15+s16+$0x0], $0xffff  }
0x4a: {  	[tilespmem:$0x1FF90] =	vst v6;
	v6 =	vld.idx.msk [tilespmem:v15+s17+$0x0], $0xffff  }
0x4b: {  	[tilespmem:$0x1FFA0] =	vst v7;
	v7 =	vld.idx.msk [tilespmem:v8+s18+$0x0], $0xffff  }
0x4c: {  	v1 =	vld.idx.msk [tilespmem:v8+s19+$0x0], $0xffff  }
0x4d: {  	[tilespmem:$0x1FF70] =	vst v4;
	v4 =	vld.idx.msk [tilespmem:v9+s18+$0x0], $0xffff  }
0x4e: {  	v8 =	vld.idx.msk [tilespmem:v16+s16+$0x0], $0xffff  }
0x4f: {  	v18 =	vld.idx.msk [tilespmem:v16+s17+$0x0], $0xffff  }
0x50: {  	v20 =	vld.idx.msk [tilespmem:v17+s17+$0x0], $0xffff  }
0x51: {  	v21 =	vld.idx.msk [tilespmem:v10+s18+$0x0], $0xffff  }
0x52: {  	v19 =	vld.idx.msk [tilespmem:v10+s19+$0x0], $0xffff  }
0x53: {  	v26 =	vld.idx.msk [tilespmem:v15+s18+$0x0], $0xffff  }
0x54: {  	v22 =	vld.idx.msk [tilespmem:v15+s19+$0x0], $0xffff  }
0x55: {  	v27 =	vld.idx.msk [tilespmem:v25+s16+$0x0], $0xffff  }
0x56: {  	v23 =	vld.idx.msk [tilespmem:v25+s17+$0x0], $0xffff  }
0x57: {  	v36 =	vld.idx.msk [tilespmem:v28+s16+$0x0], $0xffff  }
0x58: {  	v29 =	vld.idx.msk [tilespmem:v28+s17+$0x0], $0xffff  }
0x59: {  	v30 =	vld.idx.msk [tilespmem:v16+s18+$0x0], $0xffff  }
0x5a: {  	v24 =	vld.idx.msk [tilespmem:v16+s19+$0x0], $0xffff  }
0x5b: {  	v38 =	vld.idx.msk [tilespmem:v17+s18+$0x0], $0xffff  }
0x5c: {  	[tilespmem:$0x1FFB0] =	vst v32;
	v32 =	vld.idx.msk [tilespmem:v17+s19+$0x0], $0xffff  }
0x5d: {  	v39 =	vld.idx.msk [tilespmem:v31+s16+$0x0], $0xffff  }
0x5e: {  	[tilespmem:$0x1FFC0] =	vst v33;
	v33 =	vld.idx.msk [tilespmem:v31+s17+$0x0], $0xffff  }
0x5f: {  	v47 =	vld.idx.msk [tilespmem:v34+s16+$0x0], $0xffff  }
0x60: {  	v40 =	vld.idx.msk [tilespmem:v34+s17+$0x0], $0xffff  }
0x61: {  	v41 =	vld.idx.msk [tilespmem:v25+s18+$0x0], $0xffff  }
0x62: {  	v35 =	vld.idx.msk [tilespmem:v25+s19+$0x0], $0xffff  }
0x63: {  	v48 =	vld.idx.msk [tilespmem:v28+s18+$0x0], $0xffff  }
0x64: {  	v42 =	vld.idx.msk [tilespmem:v28+s19+$0x0], $0xffff  }
0x65: {  	v49 =	vld.idx.msk [tilespmem:v37+s16+$0x0], $0xffff  }
0x66: {  	v45 =	vld.idx.msk [tilespmem:v37+s17+$0x0], $0xffff  }
0x67: {  	v56 =	vld.idx.msk [tilespmem:v44+s16+$0x0], $0xffff  }
0x68: {  	v50 =	vld.idx.msk [tilespmem:v44+s17+$0x0], $0xffff  }
0x69: {  	v51 =	vld.idx.msk [tilespmem:v31+s18+$0x0], $0xffff  }
0x6a: {  	v46 =	vld.idx.msk [tilespmem:v31+s19+$0x0], $0xffff  }
0x6b: {  	v57 =	vld.idx.msk [tilespmem:v34+s18+$0x0], $0xffff  }
0x6c: {  	v52 =	vld.idx.msk [tilespmem:v34+s19+$0x0], $0xffff  }
0x6d: {  	v58 =	vld.idx.msk [tilespmem:v14+s16+$0x0], $0xffff  }
0x6e: {  	v53 =	vld.idx.msk [tilespmem:v14+s17+$0x0], $0xffff  }
0x6f: {  	[tilespmem:$0x1FF60] =	vst v63;
	v63 =	vld.idx.msk [tilespmem:v11+s16+$0x0], $0xffff  }
0x70: {  	v59 =	vld.idx.msk [tilespmem:v11+s17+$0x0], $0xffff  }
0x71: {  	v55 =	vld.idx.msk [tilespmem:v37+s18+$0x0], $0xffff  }
0x72: {  	v43 =	vld.idx.msk [tilespmem:v37+s19+$0x0], $0xffff  }
0x73: {  	[tilespmem:$0x1FFD0] =	vst v4;
	v4 =	vld.idx.msk [tilespmem:v9+s19+$0x0], $0xffff  }
0x74: {  	[tilespmem:$0x1FFE0] =	vst v8;
	v8 =	vld.idx.msk [tilespmem:v17+s16+$0x0], $0xffff  }
0x75: {  	v34 =	vld [tilespmem:$0x1FFD0]  }
0x76: {  	v37 =	vld [tilespmem:$0x1FFE0]  }
0x77: {  	v61 =	vld.idx.msk [tilespmem:v44+s18+$0x0], $0xffff  }
0x78: {  	v28 =	vld.idx.msk [tilespmem:v12+s16+$0x0], $0xffff;
	v16 =	vsub.f32 v54, v62  }
0x79: {  	v54 =	vld.idx.msk [tilespmem:v44+s19+$0x0], $0xffff;
	v15 =	vsub.f32 v5, v60;
	v9 =	vsub.f32 v0, v2  }
0x7a: {  	v62 =	vld.idx.msk [tilespmem:v13+s16+$0x0], $0xffff;
	v10 =	vsub.f32 v3, v6;
	v44 =	vimm.f32 $0.0e+00;
	v31 =	vsub.f32 v1, v4  }
0x7b: {  	s26 =	simm.s32 $0x8;
	s22 =	simm.s32 $0x0;
	v60 =	vld.idx.msk [tilespmem:v13+s17+$0x0], $0xffff;
	[tilespmem:$0x1FFF0] =	vst v44;
	v25 =	vsub.f32 v7, v34;
	v17 =	vsub.f32 v37, v8  }
.LBB2_2:
0x7c: {  	v34 =	vld.idx.msk [tilespmem:v12+s17+$0x0], $0xffff  }
0x7d: {  	v0 =	vld [tilespmem:$0x1FF50]  }
0x7e: {  	v5 =	vld.idx.msk [tilespmem:v11+s19+$0x0], $0xffff;
	s23 =	sadd.s32 $0x80, s23  }
0x7f: {  	v4 =	vld [tilespmem:s23+$0x0]  }
0x80: {  	v18 =	vsub.f32 v18, v20;
	v20 =	vsub.f32 v21, v26;
	v21 =	vld.idx.msk [tilespmem:v14+s18+$0x0], $0xffff  }
0x81: {  	v14 =	vld.idx.msk [tilespmem:v14+s19+$0x0], $0xffff  }
0x82: {  	v19 =	vsub.f32 v19, v22;
	v23 =	vsub.f32 v23, v29;
	v29 =	vld.idx.msk [tilespmem:v11+s18+$0x0], $0xffff  }
0x83: {  	v22 =	vsub.f32 v30, v38;
	v30 =	vsub.f32 v39, v47;
	v47 =	vld [tilespmem:$0x1FF60]  }
0x84: {  	v26 =	vsub.f32 v27, v36;
	v36 =	vld.idx.msk [tilespmem:v13+s18+$0x0], $0xffff  }
0x85: {  	v37 =	vsub.f32 v41, v48;
	v48 =	vld [tilespmem:$0x1FF70]  }
0x86: {  	v13 =	vld.idx.msk [tilespmem:v13+s19+$0x0], $0xffff  }
0x87: {  	v39 =	vsub.f32 v49, v56;
	v49 =	vld [tilespmem:$0x1FF80]  }
0x88: {  	v41 =	vld.idx.msk [tilespmem:v12+s18+$0x0], $0xffff  }
0x89: {  	v35 =	vsub.f32 v35, v42;
	v42 =	vsub.f32 v45, v50;
	v50 =	vld [tilespmem:$0x1FF90]  }
0x8a: {  	v12 =	vld.idx.msk [tilespmem:v12+s19+$0x0], $0xffff  }
0x8b: {  	v56 =	vld [tilespmem:$0x1FFA0]  }
0x8c: {  	v45 =	vsub.f32 v51, v57;
	v57 =	vld [tilespmem:$0x1FFB0]  }
0x8d: {  	v11 =	vsub.f32 v53, v59;
	v59 =	vld [tilespmem:s23+$0x30]  }
0x8e: {  	v28 =	vsub.f32 v62, v28;
	v62 =	vld [tilespmem:s23+$0x20]  }
0x8f: {  	v24 =	vsub.f32 v24, v32;
	v51 =	vld [tilespmem:s23+$0xFFFFFFF0]  }
0x90: {  	v32 =	vcvt.s32.f32 v47;
	v47 =	vsub.f32 v58, v63;
	v58 =	vsub.f32 v55, v61;
	v61 =	vld [tilespmem:$0x1FFC0]  }
0x91: {  	s25 =	sadd.s32 $0x80, s25;
	v63 =	vld [tilespmem:s23+$0x10]  }
0x92: {  	v27 =	vcvt.s32.f32 v0;
	v29 =	vsub.f32 v21, v29;
	v21 =	vld [tilespmem:s25+$0x30]  }
0x93: {  	v55 =	vld [tilespmem:s23+$0xFFFFFFE0]  }
0x94: {  	v25 =	vmul.f32 v27, v25;
	v6 =	vcvt.s32.f32 v57;
	v57 =	vld [tilespmem:s23+$0xFFFFFFD0]  }
0x95: {  	s24 =	sadd.s32 $0x80, s24;
	v38 =	vcvt.s32.f32 v48;
	v48 =	vcvt.s32.f32 v56;
	[tilespmem:$0x1FF50] =	vst v59;
	v59 =	vld [tilespmem:s25+$0x0]  }
0x96: {  	v27 =	vmul.f32 v27, v31;
	v31 =	vmul.f32 v32, v20;
	v20 =	vld [tilespmem:s24+$0x30]  }
0x97: {  	v46 =	vsub.f32 v46, v52;
	v32 =	vmul.f32 v32, v19;
	v52 =	vmul.f32 v48, v58;
	v58 =	vld [tilespmem:s23+$0xFFFFFFC0]  }
0x98: {  	v19 =	vsub.f32 v36, v41;
	v56 =	vadd.f32 v31, v15;
	v31 =	vld [tilespmem:s25+$0x10];
	v7 =	vcvt.s32.f32 v61  }
0x99: {  	v44 =	vcvt.s32.f32 v50;
	v12 =	vsub.f32 v13, v12;
	v22 =	vmul.f32 v38, v22;
	[tilespmem:$0x1FF70] =	vst v63;
	v63 =	vld [tilespmem:$0x1FFF0]  }
0x9a: {  	v50 =	vmul.f32 v38, v24;
	v24 =	vmul.f32 v7, v19;
	v19 =	vld [tilespmem:s24+$0x20]  }
0x9b: {  	v7 =	vmul.f32 v7, v12;
	v12 =	vmul.f32 v6, v29;
	v29 =	vadd.f32 v22, v17;
	v22 =	vld [tilespmem:s25+$0x20]  }
0x9c: {  	v34 =	vsub.f32 v60, v34;
	v60 =	vld.idx.msk [tilespmem:v21+s16+$0x0], $0xffff  }
0x9d: {  	v14 =	vsub.f32 v14, v5;
	v0 =	vld.idx.msk [tilespmem:v21+s17+$0x0], $0xffff  }
0x9e: {  	v43 =	vsub.f32 v43, v54;
	v5 =	vld.idx.msk [tilespmem:v21+s18+$0x0], $0xffff  }
0x9f: {  	v14 =	vmul.f32 v6, v14;
	v6 =	vld.idx.msk [tilespmem:v21+s19+$0x0], $0xffff  }
0xa0: {  	v54 =	vadd.f32 v25, v16;
	v16 =	vmul.f32 v48, v43;
	v36 =	vld.idx.msk [tilespmem:v59+s16+$0x0], $0xffff  }
0xa1: {  	v33 =	vsub.f32 v33, v40;
	v40 =	vcvt.s32.f32 v49;
	v48 =	vld.idx.msk [tilespmem:v59+s18+$0x0], $0xffff  }
0xa2: {  	v16 =	vadd.f32 v16, v42;
	v42 =	vld.idx.msk [tilespmem:v59+s19+$0x0], $0xffff  }
0xa3: {  	v13 =	vmul.f32 v40, v37;
	v17 =	vmul.f32 v44, v46;
	v15 =	vadd.f32 v24, v28;
	v24 =	vld [tilespmem:s24+$0x10]  }
0xa4: {  	v28 =	vld [tilespmem:s24+$0x0]  }
0xa5: {  	v13 =	vadd.f32 v13, v26;
	v26 =	vadd.f32 v17, v33;
	v17 =	vld [tilespmem:s24+$0xFFFFFFF0]  }
0xa6: {  	v37 =	vld.idx.msk [tilespmem:v20+s16+$0x0], $0xffff  }
0xa7: {  	v53 =	vmul.f32 v44, v45;
	v44 =	vld.idx.msk [tilespmem:v20+s17+$0x0], $0xffff  }
0xa8: {  	v7 =	vadd.f32 v7, v34;
	v3 =	vld.idx.msk [tilespmem:v20+s18+$0x0], $0xffff  }
0xa9: {  	[tilespmem:$0x1FF80] =	vst v4;
	v11 =	vadd.f32 v14, v11;
	v12 =	vadd.f32 v12, v47;
	v4 =	vld.idx.msk [tilespmem:v20+s19+$0x0], $0xffff  }
0xaa: {  	v15 =	vmul.f32 v15, v15;
	v7 =	vmul.f32 v7, v7;
	v20 =	vld.idx.msk [tilespmem:v31+s17+$0x0], $0xffff  }
0xab: {  	v25 =	vadd.f32 v53, v30;
	v11 =	vmul.f32 v11, v11;
	v12 =	vmul.f32 v12, v12;
	v38 =	vld.idx.msk [tilespmem:v31+s18+$0x0], $0xffff  }
0xac: {  	v10 =	vadd.f32 v32, v10;
	v32 =	vld.idx.msk [tilespmem:v31+s19+$0x0], $0xffff;
	v15 =	vadd.f32 v7, v15  }
0xad: {  	v11 =	vadd.f32 v11, v12;
	v12 =	vmul.f32 v16, v16;
	v16 =	vmul.f32 v25, v25;
	v25 =	vld [tilespmem:s25+$0xFFFFFFF0]  }
0xae: {  	p1 =	slt.u32 s22, s7;
	v1 =	vld.idx.msk [tilespmem:v19+s17+$0x0], $0xffff  }
0xaf: {  	v15 =	vpsel p1, $0x0, v15;
	v21 =	vld.idx.msk [tilespmem:v19+s18+$0x0], $0xffff  }
0xb0: {  	v8 =	vadd.f32 v15, v63;
	v15 =	vld [tilespmem:s24+$0xFFFFFFE0]  }
0xb1: {  	v7 =	vld.idx.msk [tilespmem:v24+s16+$0x0], $0xffff  }
0xb2: {  	v9 =	vadd.f32 v27, v9;
	v27 =	vld.idx.msk [tilespmem:v28+s16+$0x0], $0xffff  }
0xb3: {  	v30 =	vld.idx.msk [tilespmem:v24+s18+$0x0], $0xffff  }
0xb4: {  	v14 =	vadd.f32 v52, v39;
	v39 =	vld.idx.msk [tilespmem:v17+s16+$0x0], $0xffff  }
0xb5: {  	v35 =	vmul.f32 v40, v35;
	v33 =	vld.idx.msk [tilespmem:v17+s17+$0x0], $0xffff  }
0xb6: {  	s28 =	sadd.s32 $0x1, s22;
	v14 =	vmul.f32 v14, v14;
	v41 =	vld.idx.msk [tilespmem:v28+s18+$0x0], $0xffff  }
0xb7: {  	p5 =	slt.u32 s28, s7;
	v23 =	vadd.f32 v35, v23;
	v35 =	vld.idx.msk [tilespmem:v28+s19+$0x0], $0xffff  }
0xb8: {  	[tilespmem:$0x1FF90] =	vst v51;
	v11 =	vpsel p5, $0x0, v11;
	v12 =	vadd.f32 v12, v14;
	v14 =	vmul.f32 v26, v26;
	v51 =	vld.idx.msk [tilespmem:v17+s18+$0x0], $0xffff  }
0xb9: {  	v23 =	vmul.f32 v23, v23;
	v46 =	vld.idx.msk [tilespmem:v17+s19+$0x0], $0xffff;
	v8 =	vadd.f32 v11, v8  }
0xba: {  	v11 =	vmul.f32 v13, v13;
	v13 =	vadd.f32 v50, v18;
	v18 =	vadd.f32 v14, v16;
	v16 =	vld [tilespmem:s25+$0xFFFFFFE0]  }
0xbb: {  	s29 =	sadd.s32 $0x2, s22;
	v14 =	vld [tilespmem:s24+$0xFFFFFFD0]  }
0xbc: {  	p6 =	slt.u32 s29, s7;
	v23 =	vadd.f32 v23, v11;
	v11 =	vld [tilespmem:s25+$0xFFFFFFD0]  }
0xbd: {  	v12 =	vpsel p6, $0x0, v12;
	v26 =	vmul.f32 v13, v13;
	v13 =	vld [tilespmem:s24+$0xFFFFFFC0]  }
0xbe: {  	v8 =	vadd.f32 v12, v8;
	v12 =	vmul.f32 v29, v29;
	v29 =	vld.idx.msk [tilespmem:v59+s17+$0x0], $0xffff  }
0xbf: {  	s30 =	sadd.s32 $0x3, s22;
	v47 =	vld.idx.msk [tilespmem:v25+s16+$0x0], $0xffff  }
0xc0: {  	p2 =	slt.u32 s30, s7;
	v40 =	vld.idx.msk [tilespmem:v25+s17+$0x0], $0xffff  }
0xc1: {  	[tilespmem:$0x1FFB0] =	vst v57;
	v18 =	vpsel p2, $0x0, v18;
	v57 =	vld.idx.msk [tilespmem:v25+s18+$0x0], $0xffff  }
0xc2: {  	v10 =	vmul.f32 v10, v10;
	v52 =	vld.idx.msk [tilespmem:v25+s19+$0x0], $0xffff;
	v8 =	vadd.f32 v18, v8;
	v18 =	vmul.f32 v56, v56  }
0xc3: {  	v26 =	vadd.f32 v26, v12;
	v12 =	vld [tilespmem:s25+$0xFFFFFFC0]  }
0xc4: {  	v10 =	vadd.f32 v10, v18;
	v18 =	vld.idx.msk [tilespmem:v24+s17+$0x0], $0xffff  }
0xc5: {  	s31 =	sadd.s32 $0x4, s22;
	v24 =	vld.idx.msk [tilespmem:v24+s19+$0x0], $0xffff  }
0xc6: {  	p3 =	slt.u32 s31, s7;
	v49 =	vld.idx.msk [tilespmem:v15+s16+$0x0], $0xffff  }
0xc7: {  	s29 =	sadd.s32 $0x5, s22;
	v23 =	vpsel p3, $0x0, v23;
	v45 =	vld.idx.msk [tilespmem:v15+s17+$0x0], $0xffff  }
0xc8: {  	p4 =	slt.u32 s29, s7;
	[tilespmem:$0x1FFA0] =	vst v55;
	v8 =	vadd.f32 v23, v8;
	v55 =	vld.idx.msk [tilespmem:v15+s18+$0x0], $0xffff  }
0xc9: {  	v9 =	vmul.f32 v9, v9;
	v23 =	vmul.f32 v54, v54;
	v26 =	vpsel p4, $0x0, v26;
	v43 =	vld.idx.msk [tilespmem:v15+s19+$0x0], $0xffff  }
0xca: {  	v8 =	vadd.f32 v26, v8;
	v26 =	vld.idx.msk [tilespmem:v22+s18+$0x0], $0xffff  }
0xcb: {  	v9 =	vadd.f32 v9, v23;
	v23 =	vld.idx.msk [tilespmem:v28+s17+$0x0], $0xffff  }
0xcc: {  	v56 =	vld.idx.msk [tilespmem:v16+s16+$0x0], $0xffff  }
0xcd: {  	v50 =	vld.idx.msk [tilespmem:v16+s17+$0x0], $0xffff  }
0xce: {  	[tilespmem:$0x1FFC0] =	vst v58;
	v58 =	vld.idx.msk [tilespmem:v14+s16+$0x0], $0xffff  }
0xcf: {  	s30 =	sadd.s32 $0x6, s22;
	v53 =	vld.idx.msk [tilespmem:v14+s17+$0x0], $0xffff  }
0xd0: {  	p5 =	slt.u32 s30, s7;
	v61 =	vld.idx.msk [tilespmem:v16+s18+$0x0], $0xffff  }
0xd1: {  	v10 =	vpsel p5, $0x0, v10;
	v54 =	vld.idx.msk [tilespmem:v16+s19+$0x0], $0xffff  }
0xd2: {  	s31 =	sadd.s32 $0x7, s22;
	v8 =	vadd.f32 v10, v8;
	v10 =	vld.idx.msk [tilespmem:v19+s16+$0x0], $0xffff  }
0xd3: {  	p6 =	slt.u32 s31, s7;
	v19 =	vld.idx.msk [tilespmem:v19+s19+$0x0], $0xffff  }
0xd4: {  	v9 =	vpsel p6, $0x0, v9;
	v63 =	vld.idx.msk [tilespmem:v11+s16+$0x0], $0xffff  }
0xd5: {  	v2 =	vadd.f32 v9, v8;
	v9 =	vld.idx.msk [tilespmem:v22+s16+$0x0], $0xffff  }
0xd6: {  	v8 =	vld.idx.msk [tilespmem:v31+s16+$0x0], $0xffff  }
0xd7: {  	p0 =	slt.u32 s26, $0x300;
	[tilespmem:$0x1FFF0] =	vst v2;
	v2 =	vld.idx.msk [tilespmem:v22+s17+$0x0], $0xffff  }
.Ltmp0:
0xd8: {  	v59 =	vld.idx.msk [tilespmem:v11+s17+$0x0], $0xffff;
	(pc) =	sbr.rel @p0 .LBB2_2-.Ltmp0, $4  }
0xd9: {  	[tilespmem:$0x1FF60] =	vst v62;
	v25 =	vsub.f32 v3, v5;
	v62 =	vld.idx.msk [tilespmem:v13+s16+$0x0], $0xffff  }
0xda: {  	v16 =	vsub.f32 v37, v60;
	v60 =	vld.idx.msk [tilespmem:v13+s17+$0x0], $0xffff;
	v31 =	vsub.f32 v4, v6  }
0xdb: {  	v28 =	vld.idx.msk [tilespmem:v12+s16+$0x0], $0xffff;
	v15 =	vsub.f32 v10, v9;
	v9 =	vsub.f32 v44, v0  }
0xdc: {  	s22 =	smov.u32 s26;
	s26 =	sadd.s32 $0x8, s26;
	v22 =	vld.idx.msk [tilespmem:v22+s19+$0x0], $0xffff;
	v17 =	vsub.f32 v7, v8;
	v10 =	vsub.f32 v1, v2  }
0xdd: {  	_ =	sdelay $0x3  }
0xde: {  	v34 =	vld.idx.msk [tilespmem:v14+s18+$0x0], $0xffff  }
0xdf: {  	v14 =	vld.idx.msk [tilespmem:v14+s19+$0x0], $0xffff  }
0xe0: {  	v2 =	vld.idx.msk [tilespmem:v13+s18+$0x0], $0xffff  }
0xe1: {  	v1 =	vld [tilespmem:$0x3080]  }
0xe2: {  	v6 =	vld.idx.msk [tilespmem:v13+s19+$0x0], $0xffff  }
0xe3: {  	v3 =	vld.idx.msk [tilespmem:v12+s17+$0x0], $0xffff  }
0xe4: {  	v7 =	vld.idx.msk [tilespmem:v12+s18+$0x0], $0xffff  }
0xe5: {  	v8 =	vld.idx.msk [tilespmem:v12+s19+$0x0], $0xffff  }
0xe6: {  	v4 =	vld [tilespmem:$0x6180]  }
0xe7: {  	v5 =	vld.idx.msk [tilespmem:v11+s18+$0x0], $0xffff  }
0xe8: {  	v11 =	vld.idx.msk [tilespmem:v11+s19+$0x0], $0xffff  }
0xe9: {  	v26 =	vsub.f32 v21, v26;
	v21 =	vld [tilespmem:$0x6190];
	v24 =	vsub.f32 v24, v32  }
0xea: {  	v32 =	vsub.f32 v33, v40;
	v40 =	vsub.f32 v49, v56;
	v56 =	vld [tilespmem:$0x1FF50]  }
0xeb: {  	v33 =	vsub.f32 v41, v48;
	v41 =	vsub.f32 v45, v50;
	v45 =	vld [tilespmem:$0x30A0]  }
0xec: {  	v18 =	vsub.f32 v18, v20;
	v20 =	vld [tilespmem:$0x9290]  }
0xed: {  	v49 =	vsub.f32 v55, v61;
	v61 =	vld [tilespmem:$0x1FF90]  }
0xee: {  	v39 =	vsub.f32 v39, v47;
	v47 =	vsub.f32 v58, v63;
	v58 =	vld [tilespmem:$0x1FF70]  }
0xef: {  	v48 =	vsub.f32 v53, v59;
	v59 =	vld [tilespmem:$0x1FF80]  }
0xf0: {  	v63 =	vld [tilespmem:$0x1FFB0]  }
0xf1: {  	v28 =	vsub.f32 v62, v28;
	v62 =	vld [tilespmem:$0x1FFA0]  }
0xf2: {  	v46 =	vsub.f32 v46, v52;
	v53 =	vcvt.s32.f32 v61;
	v61 =	vld [tilespmem:$0x1FFC0]  }
0xf3: {  	v60 =	vsub.f32 v60, v3;
	v3 =	vld [tilespmem:$0x92A0]  }
0xf4: {  	v52 =	vcvt.s32.f32 v59;
	v59 =	vmul.f32 v53, v46;
	v46 =	vld [tilespmem:$0x30C0]  }
0xf5: {  	v0 =	vld.idx.msk [tilespmem:v1+s16+$0x0], $0xffff  }
0xf6: {  	v37 =	vld.idx.msk [tilespmem:v1+s17+$0x0], $0xffff  }
0xf7: {  	v13 =	vld.idx.msk [tilespmem:v4+s16+$0x0], $0xffff  }
0xf8: {  	v44 =	vld.idx.msk [tilespmem:v4+s17+$0x0], $0xffff  }
0xf9: {  	v12 =	vld.idx.msk [tilespmem:v4+s19+$0x0], $0xffff  }
0xfa: {  	v55 =	vld.idx.msk [tilespmem:v21+s18+$0x0], $0xffff  }
0xfb: {  	v7 =	vsub.f32 v2, v7;
	v2 =	vld.idx.msk [tilespmem:v45+s16+$0x0], $0xffff  }
0xfc: {  	v11 =	vsub.f32 v14, v11;
	v14 =	vld.idx.msk [tilespmem:v45+s18+$0x0], $0xffff  }
0xfd: {  	[tilespmem:$0x1FF30] =	vst v37;
	v37 =	vld.idx.msk [tilespmem:v1+s18+$0x0], $0xffff  }
0xfe: {  	v1 =	vld.idx.msk [tilespmem:v1+s19+$0x0], $0xffff  }
0xff: {  	v43 =	vsub.f32 v43, v54;
	v54 =	vcvt.s32.f32 v62;
	v62 =	vcvt.s32.f32 v61;
	v61 =	vld [tilespmem:$0x61B0]  }
0x100: {  	[tilespmem:$0x1FF10] =	vst v0;
	v0 =	vld [tilespmem:$0x3090]  }
0x101: {  	v7 =	vmul.f32 v62, v7;
	[tilespmem:$0x1FF40] =	vst v44;
	v44 =	vld.idx.msk [tilespmem:v4+s18+$0x0], $0xffff  }
0x102: {  	v4 =	vld.idx.msk [tilespmem:v21+s16+$0x0], $0xffff  }
0x103: {  	v7 =	vadd.f32 v7, v28;
	v28 =	vld.idx.msk [tilespmem:v45+s19+$0x0], $0xffff;
	[tilespmem:$0x1FF20] =	vst v1;
	v1 =	vcvt.s32.f32 v56  }
0x104: {  	v32 =	vadd.f32 v59, v32;
	v59 =	vld [tilespmem:$0x1FF30];
	v56 =	vcvt.s32.f32 v63;
	v63 =	vmul.f32 v52, v33  }
0x105: {  	v36 =	vsub.f32 v27, v36;
	v25 =	vmul.f32 v1, v25;
	v31 =	vmul.f32 v1, v31;
	v1 =	vld.idx.msk [tilespmem:v21+s17+$0x0], $0xffff  }
0x106: {  	v5 =	vsub.f32 v34, v5;
	v21 =	vld.idx.msk [tilespmem:v21+s19+$0x0], $0xffff  }
0x107: {  	v6 =	vsub.f32 v6, v8;
	v8 =	vadd.f32 v63, v36;
	v63 =	vld [tilespmem:$0x1FFF0]  }
0x108: {  	v5 =	vmul.f32 v56, v5;
	v11 =	vmul.f32 v56, v11;
	v56 =	vld [tilespmem:$0x1FF20]  }
0x109: {  	v27 =	vsub.f32 v19, v22;
	v22 =	vld.idx.msk [tilespmem:v0+s16+$0x0], $0xffff  }
0x10a: {  	v38 =	vsub.f32 v30, v38;
	v30 =	vld.idx.msk [tilespmem:v0+s17+$0x0], $0xffff  }
0x10b: {  	v29 =	vsub.f32 v23, v29;
	v23 =	vld.idx.msk [tilespmem:v0+s18+$0x0], $0xffff  }
0x10c: {  	v19 =	vld.idx.msk [tilespmem:v0+s19+$0x0], $0xffff  }
0x10d: {  	v0 =	vsub.f32 v35, v42;
	v35 =	vld [tilespmem:$0x9280]  }
0x10e: {  	v42 =	vsub.f32 v51, v57;
	v57 =	vld [tilespmem:$0x1FF60]  }
0x10f: {  	v6 =	vmul.f32 v62, v6;
	v51 =	vcvt.s32.f32 v58;
	v11 =	vadd.f32 v11, v48;
	v48 =	vld.idx.msk [tilespmem:v61+s16+$0x0], $0xffff  }
0x110: {  	v33 =	vmul.f32 v52, v0;
	v0 =	vld.idx.msk [tilespmem:v45+s17+$0x0], $0xffff  }
0x111: {  	v6 =	vadd.f32 v6, v60;
	v7 =	vmul.f32 v7, v7;
	v38 =	vmul.f32 v51, v38;
	v52 =	vld [tilespmem:$0x30B0]  }
0x112: {  	v24 =	vmul.f32 v51, v24;
	v51 =	vmul.f32 v54, v49;
	v49 =	vld.idx.msk [tilespmem:v61+s18+$0x0], $0xffff  }
0x113: {  	v6 =	vmul.f32 v6, v6;
	v42 =	vmul.f32 v53, v42;
	v53 =	vld [tilespmem:$0x92C0]  }
0x114: {  	v58 =	vmul.f32 v54, v43;
	v54 =	vld [tilespmem:$0x1FF10]  }
0x115: {  	v6 =	vadd.f32 v6, v7;
	v60 =	vmul.f32 v11, v11;
	v11 =	vld.idx.msk [tilespmem:v61+s19+$0x0], $0xffff  }
0x116: {  	v5 =	vadd.f32 v5, v47;
	v18 =	vadd.f32 v24, v18;
	v24 =	vld.idx.msk [tilespmem:v61+s17+$0x0], $0xffff  }
0x117: {  	p0 =	slt.u32 s22, s7;
	v17 =	vadd.f32 v38, v17;
	v38 =	vadd.f32 v58, v41;
	v58 =	vld.idx.msk [tilespmem:v46+s17+$0x0], $0xffff  }
0x118: {  	v6 =	vpsel p0, $0x0, v6;
	v61 =	vld.idx.msk [tilespmem:v46+s18+$0x0], $0xffff  }
0x119: {  	v5 =	vmul.f32 v5, v5;
	v6 =	vadd.f32 v6, v63;
	v63 =	vld.idx.msk [tilespmem:v46+s19+$0x0], $0xffff  }
0x11a: {  	v20 =	vcvt.s32.f32 v20;
	v16 =	vadd.f32 v25, v16;
	v50 =	vcvt.s32.f32 v57;
	v57 =	vld [tilespmem:$0x61A0]  }
0x11b: {  	v3 =	vcvt.s32.f32 v3;
	v34 =	vadd.f32 v51, v40;
	v5 =	vadd.f32 v60, v5;
	v60 =	vld [tilespmem:$0x1FF40]  }
0x11c: {  	v16 =	vmul.f32 v16, v16;
	v51 =	vcvt.s32.f32 v35;
	v35 =	vld [tilespmem:$0x61D0]  }
0x11d: {  	v9 =	vadd.f32 v31, v9;
	v34 =	vmul.f32 v34, v34;
	v62 =	vmul.f32 v38, v38;
	v38 =	vld [tilespmem:$0x92B0]  }
0x11e: {  	s23 =	sadd.s32 $0x1, s22;
	v26 =	vmul.f32 v50, v26;
	v27 =	vmul.f32 v50, v27;
	v50 =	vld [tilespmem:$0x61C0]  }
0x11f: {  	p6 =	slt.u32 s23, s7;
	v9 =	vmul.f32 v9, v9;
	v39 =	vadd.f32 v42, v39;
	v7 =	vadd.f32 v62, v34;
	v62 =	vld [tilespmem:$0x30D0]  }
0x120: {  	s25 =	sadd.s32 $0x2, s22;
	v29 =	vadd.f32 v33, v29;
	v12 =	vsub.f32 v56, v12;
	v5 =	vpsel p6, $0x0, v5;
	v33 =	vld.idx.msk [tilespmem:v52+s16+$0x0], $0xffff  }
0x121: {  	p1 =	slt.u32 s25, s7;
	v42 =	vmul.f32 v8, v8;
	v9 =	vadd.f32 v9, v16;
	v5 =	vadd.f32 v5, v6;
	v34 =	vld.idx.msk [tilespmem:v52+s17+$0x0], $0xffff  }
0x122: {  	v23 =	vsub.f32 v23, v55;
	v19 =	vsub.f32 v19, v21;
	v8 =	vld.idx.msk [tilespmem:v52+s18+$0x0], $0xffff;
	v7 =	vpsel p1, $0x0, v7  }
0x123: {  	v32 =	vmul.f32 v32, v32;
	v4 =	vsub.f32 v22, v4;
	v5 =	vadd.f32 v7, v5;
	v7 =	vld.idx.msk [tilespmem:v52+s19+$0x0], $0xffff  }
0x124: {  	v1 =	vsub.f32 v30, v1;
	v39 =	vmul.f32 v39, v39;
	v29 =	vmul.f32 v29, v29;
	v36 =	vld.idx.msk [tilespmem:v57+s16+$0x0], $0xffff  }
0x125: {  	v17 =	vmul.f32 v17, v17;
	v18 =	vmul.f32 v18, v18;
	v13 =	vsub.f32 v54, v13;
	v43 =	vld.idx.msk [tilespmem:v57+s17+$0x0], $0xffff  }
0x126: {  	v12 =	vmul.f32 v51, v12;
	v45 =	vadd.f32 v32, v39;
	v15 =	vadd.f32 v26, v15;
	v41 =	vld.idx.msk [tilespmem:v57+s18+$0x0], $0xffff  }
0x127: {  	s26 =	sadd.s32 $0x3, s22;
	v19 =	vmul.f32 v20, v19;
	v10 =	vadd.f32 v27, v10;
	v52 =	vsub.f32 v37, v44;
	v40 =	vld.idx.msk [tilespmem:v57+s19+$0x0], $0xffff  }
0x128: {  	s31 =	sadd.s32 $0x7, s22;
	p2 =	slt.u32 s26, s7;
	v6 =	vadd.f32 v29, v42;
	v17 =	vadd.f32 v18, v17;
	v15 =	vmul.f32 v15, v15;
	v57 =	vld.idx.msk [tilespmem:v46+s16+$0x0], $0xffff  }
0x129: {  	s28 =	sadd.s32 $0x4, s22;
	s29 =	sadd.s32 $0x5, s22;
	p6 =	slt.u32 s31, s7;
	v47 =	vpsel p2, $0x0, v45;
	v10 =	vmul.f32 v10, v10;
	v27 =	vmul.f32 v51, v52;
	v51 =	vld.idx.msk [tilespmem:v35+s16+$0x0], $0xffff  }
0x12a: {  	p3 =	slt.u32 s28, s7;
	p4 =	slt.u32 s29, s7;
	v9 =	vpsel p6, $0x0, v9;
	v1 =	vadd.f32 v19, v1;
	v5 =	vadd.f32 v47, v5;
	v52 =	vld.idx.msk [tilespmem:v35+s17+$0x0], $0xffff  }
0x12b: {  	v6 =	vpsel p3, $0x0, v6;
	v17 =	vpsel p4, $0x0, v17;
	v10 =	vadd.f32 v10, v15;
	v30 =	vld.idx.msk [tilespmem:v50+s16+$0x0], $0xffff  }
0x12c: {  	v1 =	vmul.f32 v1, v1;
	v5 =	vadd.f32 v6, v5;
	v13 =	vadd.f32 v27, v13;
	v32 =	vld.idx.msk [tilespmem:v50+s17+$0x0], $0xffff  }
0x12d: {  	v44 =	vcvt.s32.f32 v38;
	v39 =	vld.idx.msk [tilespmem:v50+s18+$0x0], $0xffff;
	v8 =	vsub.f32 v8, v49;
	v47 =	vsub.f32 v33, v48  }
0x12e: {  	s30 =	sadd.s32 $0x6, s22;
	v27 =	vmul.f32 v20, v23;
	v6 =	vld.idx.msk [tilespmem:v50+s19+$0x0], $0xffff;
	v50 =	vsub.f32 v34, v24;
	v7 =	vsub.f32 v7, v11  }
0x12f: {  	p5 =	slt.u32 s30, s7;
	v15 =	vcvt.s32.f32 v53;
	v48 =	vld.idx.msk [tilespmem:v35+s18+$0x0], $0xffff;
	v5 =	vadd.f32 v17, v5;
	v17 =	vsub.f32 v59, v60  }
0x130: {  	v10 =	vpsel p5, $0x0, v10;
	v49 =	vld.idx.msk [tilespmem:v35+s19+$0x0], $0xffff;
	v4 =	vadd.f32 v27, v4;
	v37 =	vsub.f32 v14, v41  }
0x131: {  	v42 =	vld.idx.msk [tilespmem:v62+s16+$0x0], $0xffff;
	v31 =	vmul.f32 v13, v13;
	v2 =	vsub.f32 v2, v36;
	v40 =	vsub.f32 v28, v40  }
0x132: {  	v45 =	vld.idx.msk [tilespmem:v62+s18+$0x0], $0xffff;
	v8 =	vmul.f32 v44, v8;
	v0 =	vsub.f32 v0, v43;
	v12 =	vadd.f32 v12, v17  }
0x133: {  	v46 =	vld.idx.msk [tilespmem:v62+s19+$0x0], $0xffff;
	v7 =	vmul.f32 v44, v7;
	v5 =	vadd.f32 v10, v5;
	v14 =	vsub.f32 v61, v39  }
0x134: {  	v41 =	vld [tilespmem:$0x92D0];
	v4 =	vmul.f32 v4, v4;
	v20 =	vsub.f32 v57, v30;
	v6 =	vsub.f32 v63, v6  }
0x135: {  	v43 =	vld.idx.msk [tilespmem:v62+s17+$0x0], $0xffff;
	v53 =	vadd.f32 v7, v50;
	v55 =	vsub.f32 v58, v32;
	v12 =	vmul.f32 v12, v12  }
0x136: {  	v5 =	vadd.f32 v9, v5;
	v9 =	vmul.f32 v3, v37;
	v1 =	vadd.f32 v1, v4  }
0x137: {  	v3 =	vmul.f32 v3, v40;
	v11 =	vsub.f32 v45, v48;
	v4 =	vsub.f32 v42, v51  }
0x138: {  	v14 =	vmul.f32 v15, v14;
	v10 =	vadd.f32 v12, v31;
	v2 =	vadd.f32 v9, v2  }
0x139: {  	v6 =	vmul.f32 v15, v6;
	v0 =	vadd.f32 v3, v0;
	v3 =	vsub.f32 v46, v49  }
0x13a: {  	v56 =	vcvt.s32.f32 v41;
	v9 =	vsub.f32 v43, v52;
	v5 =	vadd.f32 v10, v5  }
0x13b: {  	v54 =	vadd.f32 v14, v20;
	v2 =	vmul.f32 v2, v2;
	v0 =	vmul.f32 v0, v0  }
0x13c: {  	v57 =	vmul.f32 v56, v11;
	v1 =	vadd.f32 v1, v5;
	v5 =	vadd.f32 v8, v47  }
0x13d: {  	v6 =	vadd.f32 v6, v55;
	v3 =	vmul.f32 v56, v3;
	v59 =	vmul.f32 v54, v54  }
0x13e: {  	v0 =	vadd.f32 v0, v2;
	v2 =	vmul.f32 v53, v53;
	v5 =	vmul.f32 v5, v5  }
0x13f: {  	v60 =	vmul.f32 v6, v6;
	v4 =	vadd.f32 v57, v4;
	v3 =	vadd.f32 v3, v9  }
0x140: {  	v0 =	vadd.f32 v0, v1;
	v58 =	vadd.f32 v2, v5  }
0x141: {  	v61 =	vadd.f32 v60, v59  }
0x142: {  	v62 =	vmul.f32 v4, v4;
	v3 =	vmul.f32 v3, v3;
	v0 =	vadd.f32 v58, v0;
	_ =	sdelay $0x1  }
0x143: {  	v63 =	vadd.f32 v3, v62;
	v0 =	vadd.f32 v61, v0;
	_ =	sdelay $0x1  }
0x144: {  	s21 =	sadd.s32 $0x1, s21;
	v0 =	vadd.f32 v63, v0  }
0x145: {  	p0 =	sne.s32 s21, s12  }
.Ltmp1:
0x146: {  	[tilespmem:$0xD300] =	vst v0;
	(pc) =	sbr.rel @p0 .LBB2_1-.Ltmp1, $4  }
0x147: {  	[hbm4b:s11+s2] =	stream.linear.scatter [tilespmem:s20], [sflag:$0x1], $0x80, $0x38;
	[tilespmem:$0xD380] =	vst v63  }
0x148: {  	_ =	swait.ge [sflag:s13], $0x80  }
0x149: {  	[sflag:s13] =	ssyncset.done $0x0  }
0x14a: {  	[sflag:s13] =	ssyncadd.s32 $0xFFFFFF80  }
0x14b: {  	_ =	sfence.sel $0x180000  }
0x14c: {  	[bflag:$0x0] =	sbarrier.arrive $0xFFFF  }
0x14d: {  	p0 =	sne.s32 s1, $0x0;
	_ =	strace $0x90000047  }
0x14e: {  	s0 =	sadd.s32 @!p0 $0x100000, s0;
	[bflag:$0x2] =	sbarrier.arrive $0xFFFF  }
0x14f: {  	[sflag:s0] =	ssyncadd.tile.s32 @!p0 $0x1;
	_ =	shalt  }
.Lfunc_end2:
_tile_overlayer_lowered:
.L_overlay_start_2:
0x150: {  	(tag) =	ssettag $0x2  }
0x151: {  	s0 =	rddreg [dreg:$0x0];
	s2 =	stileid.u32  }
0x152: {  	s1 =	rddreg [dreg:$0x1];
	p0 =	sne.s32 s2, $0x0  }
0x153: {  	s3 =	rddreg [dreg:$0x2];
	[bflag:$0x3] =	sbarrier.arrive $0xFFFF;
	s2 =	simm.s32 @!p0 $0x1C01  }
0x154: {  	[timem:s3], [sflag:s2] =	dma.local @!p0 [hbm:s0], s1  }
0x155: {  	s0 =	simm.s32 @!p0 $0x1  }
0x156: {  	_ =	swait.ge @!p0 [sflag:s0], s1  }
0x157: {  	s1 =	ssub.s32 @!p0 $0x0, s1;
	[sflag:s0] =	ssyncset.done @!p0 $0x0  }
0x158: {  	[sflag:s0] =	ssyncadd.s32 @!p0 s1  }
0x159: {  	[bflag:$0x3] =	sbarrier.arrive $0xFFFF  }
0x15a: {  	_ =	shalt  }

</sc_bundles>
